<compile_context>
chip_gen: v7x
topology: tpu7x:2x2x1
jax: 0.10.2.dev20260603
libtpu: 0.0.44.dev20260713+nightly
codegen_flags: <defaults>
</compile_context>

<pallas_src>
import functools

import jax
import jax.numpy as jnp
from jax import lax
from jax.experimental import pallas as pl
from jax.experimental.pallas import tpu as pltpu
from jax.experimental.pallas import tpu_sc as plsc

N = 10000
NP = 10240
E = 320000
D = 128
B = 1024

NC = 2
NS = 16
NW = NC * NS
EP = E // NW
K = 80
C = 125
EPP = C * K
RPW = NP // NS

_MESH = dict(core_axis_name="c", subcore_axis_name="s", num_cores=NC,
             num_subcores=NS)



@functools.partial(
    pl.kernel,
    out_type=jax.ShapeDtypeStruct((NC, NP, D), jnp.float32),
    mesh=plsc.VectorSubcoreMesh(**_MESH),
    scratch_types=[
        pltpu.VMEM((EPP,), jnp.int32),
        pltpu.VMEM((C, K), jnp.int32),
        pltpu.VMEM((K, D), jnp.float32),
        pltpu.VMEM((K, D), jnp.float32),
        pltpu.VMEM_SHARED((NP, D), jnp.float32),
        pltpu.SemaphoreType.DMA,
        pltpu.SemaphoreType.DMA,
    ],
)
def _sc_aggregate(x_hbm, src_hbm, dst_hbm, zeros_hbm, out_hbm,
                  srcv, dstv, rows_a, rows_b, acc, sem_a, sem_b):
    c = lax.axis_index("c")
    s = lax.axis_index("s")
    t = c * NS + s
    pltpu.sync_copy(src_hbm.at[t], srcv)
    pltpu.sync_copy(dst_hbm.at[t], dstv)
    pltpu.sync_copy(zeros_hbm, acc.at[pl.ds(s * RPW, RPW)])
    plsc.subcore_barrier()

    def sidx(j):
        return srcv.at[pl.ds(j * K, K)]

    pltpu.async_copy(x_hbm.at[sidx(0)], rows_a, sem_a)

    def body(i, carry):
        j = 2 * i
        pltpu.async_copy(x_hbm.at[sidx(j + 1)], rows_b, sem_b)
        pltpu.make_async_copy(x_hbm.at[sidx(j)], rows_a, sem_a).wait()
        pltpu.sync_copy(rows_a, acc.at[dstv.at[j]], add=True)
        pltpu.async_copy(x_hbm.at[sidx(j + 2)], rows_a, sem_a)
        pltpu.make_async_copy(x_hbm.at[sidx(j + 1)], rows_b, sem_b).wait()
        pltpu.sync_copy(rows_b, acc.at[dstv.at[j + 1]], add=True)
        return carry

    lax.fori_loop(0, (C - 1) // 2, body, 0)
    pltpu.make_async_copy(x_hbm.at[sidx(C - 1)], rows_a, sem_a).wait()
    pltpu.sync_copy(rows_a, acc.at[dstv.at[C - 1]], add=True)
    plsc.subcore_barrier()
    pltpu.sync_copy(acc.at[pl.ds(s * RPW, RPW)],
                    out_hbm.at[c, pl.ds(s * RPW, RPW)])


@functools.partial(
    pl.kernel,
    out_type=jax.ShapeDtypeStruct((NW, 4 * NP), jnp.float32),
    mesh=plsc.VectorSubcoreMesh(**_MESH),
    scratch_types=[
        pltpu.VMEM((NP,), jnp.int32),
        pltpu.VMEM((EP,), jnp.int32),
        pltpu.VMEM((EP,), jnp.int32),
        pltpu.VMEM((4 * NP,), jnp.float32),
    ],
    compiler_params=pltpu.CompilerParams(needs_layout_passes=False),
)
def _sc_type_counts(nt_hbm, src_hbm, dst_hbm, zeros_hbm, out_hbm,
                    ntv, srcv, dstv, cntv):
    c = lax.axis_index("c")
    s = lax.axis_index("s")
    t = c * NS + s
    pltpu.sync_copy(nt_hbm, ntv)
    pltpu.sync_copy(src_hbm.at[t], srcv)
    pltpu.sync_copy(dst_hbm.at[t], dstv)
    pltpu.sync_copy(zeros_hbm, cntv)
    ones16 = jnp.ones((16,), jnp.float32)

    def body(e, carry):
        s16 = srcv[pl.ds(e * 16, 16)]
        d16 = dstv[pl.ds(e * 16, 16)]
        nt16 = plsc.load_gather(ntv, [s16])
        idx = d16 * 4 + nt16
        plsc.addupdate_scatter(cntv, [idx], ones16)
        return carry

    lax.fori_loop(0, EP // 16, body, 0)
    pltpu.sync_copy(cntv, out_hbm.at[t])


_GB = 2 * B // NW


@functools.partial(
    pl.kernel,
    out_type=jax.ShapeDtypeStruct((2 * B, D), jnp.float32),
    mesh=plsc.VectorSubcoreMesh(**_MESH),
    scratch_types=[
        pltpu.VMEM((_GB,), jnp.int32),
        pltpu.VMEM((_GB, D), jnp.float32),
        pltpu.SemaphoreType.DMA,
    ],
)
def _sc_gather_rows(x_hbm, idx_hbm, out_hbm, idxv, rowsv, sem):
    c = lax.axis_index("c")
    s = lax.axis_index("s")
    t = c * NS + s
    pltpu.sync_copy(idx_hbm.at[t], idxv)
    pltpu.async_copy(x_hbm.at[idxv], rowsv, sem).wait()
    pltpu.sync_copy(rowsv, out_hbm.at[pl.ds(t * _GB, _GB)])



_RB = 1024


def _combine1_body(nt_ref, cnt_ref, emb_ref, ws_ref, wn_ref, bs_ref, bn_ref,
                   x_ref, invd_ref):
    nt = nt_ref[...]
    tids = lax.broadcasted_iota(jnp.int32, (_RB, 4), 1)
    oh = (nt == tids).astype(jnp.float32)
    cnts = cnt_ref[...]
    deg = jnp.sum(cnts, axis=1, keepdims=True)
    invd = 1.0 / jnp.maximum(deg, 1.0)
    es = jnp.dot(emb_ref[...], ws_ref[...], preferred_element_type=jnp.float32)
    en = jnp.dot(emb_ref[...], wn_ref[...], preferred_element_type=jnp.float32)
    x_ref[...] = jnp.maximum(
        jnp.dot(oh, es, preferred_element_type=jnp.float32)
        + jnp.dot(cnts, en, preferred_element_type=jnp.float32) * invd
        + bs_ref[...] + bn_ref[...], 0.0)
    invd_ref[...] = invd


def _combine1(nt2, cnt, node_emb, Ws, Wn, bs, bn):
    return pl.pallas_call(
        _combine1_body,
        grid=(NP // _RB,),
        in_specs=[
            pl.BlockSpec((_RB, 1), lambda i: (i, 0)),
            pl.BlockSpec((_RB, 4), lambda i: (i, 0)),
            pl.BlockSpec((4, D), lambda i: (0, 0)),
            pl.BlockSpec((D, D), lambda i: (0, 0)),
            pl.BlockSpec((D, D), lambda i: (0, 0)),
            pl.BlockSpec((1, D), lambda i: (0, 0)),
            pl.BlockSpec((1, D), lambda i: (0, 0)),
        ],
        out_specs=[
            pl.BlockSpec((_RB, D), lambda i: (i, 0)),
            pl.BlockSpec((_RB, 1), lambda i: (i, 0)),
        ],
        out_shape=[
            jax.ShapeDtypeStruct((NP, D), jnp.float32),
            jax.ShapeDtypeStruct((NP, 1), jnp.float32),
        ],
    )(nt2, cnt, node_emb, Ws, Wn, bs, bn)


def _combine_body(x_ref, p_ref, invd_ref, ws_ref, wn_ref, bs_ref, bn_ref,
                  o_ref):
    mean = (p_ref[0] + p_ref[1]) * invd_ref[...]
    o_ref[...] = jnp.maximum(
        jnp.dot(x_ref[...], ws_ref[...], preferred_element_type=jnp.float32)
        + jnp.dot(mean, wn_ref[...], preferred_element_type=jnp.float32)
        + bs_ref[...] + bn_ref[...], 0.0)


def _combine(x, p, invd, Ws, Wn, bs, bn):
    return pl.pallas_call(
        _combine_body,
        grid=(NP // _RB,),
        in_specs=[
            pl.BlockSpec((_RB, D), lambda i: (i, 0)),
            pl.BlockSpec((NC, _RB, D), lambda i: (0, i, 0)),
            pl.BlockSpec((_RB, 1), lambda i: (i, 0)),
            pl.BlockSpec((D, D), lambda i: (0, 0)),
            pl.BlockSpec((D, D), lambda i: (0, 0)),
            pl.BlockSpec((1, D), lambda i: (0, 0)),
            pl.BlockSpec((1, D), lambda i: (0, 0)),
        ],
        out_specs=pl.BlockSpec((_RB, D), lambda i: (i, 0)),
        out_shape=jax.ShapeDtypeStruct((NP, D), jnp.float32),
    )(x, p, invd, Ws, Wn, bs, bn)


def _head_body(g_ref, w1_ref, b1_ref, w2_ref, b2_ref, o_ref):
    xs = g_ref[:B]
    xd = g_ref[B:]
    h = jnp.maximum(
        jnp.dot(xs, w1_ref[:D], preferred_element_type=jnp.float32)
        + jnp.dot(xd, w1_ref[D:], preferred_element_type=jnp.float32)
        + b1_ref[...], 0.0)
    o_ref[...] = jnp.dot(h, w2_ref[...],
                         preferred_element_type=jnp.float32) + b2_ref[...]


def _head(g, hW1, hb1, hW2, hb2):
    return pl.pallas_call(
        _head_body,
        grid=(1,),
        in_specs=[
            pl.BlockSpec((2 * B, D), lambda i: (0, 0)),
            pl.BlockSpec((2 * D, D), lambda i: (0, 0)),
            pl.BlockSpec((1, D), lambda i: (0, 0)),
            pl.BlockSpec((D, 1), lambda i: (0, 0)),
            pl.BlockSpec((1, 1), lambda i: (0, 0)),
        ],
        out_specs=pl.BlockSpec((B, 1), lambda i: (0, 0)),
        out_shape=jax.ShapeDtypeStruct((B, 1), jnp.float32),
    )(g, hW1, hb1, hW2, hb2)



def kernel(node_type, edge_type, edge_index, edge_label_index, node_emb,
           edge_emb, Ws1, bs1, Wn1, bn1, Ws2, bs2, Wn2, bn2, Ws3, bs3, Wn3,
           bn3, hW1, hb1, hW2, hb2):
    src_r = edge_index[0].reshape(NW, EPP)
    dst_r = edge_index[1].reshape(NW, C, K)
    zeros_x = jnp.zeros((RPW, D), jnp.float32)
    zeros_c = jnp.zeros((4 * NP,), jnp.float32)

    ntp = jnp.pad(node_type, (0, NP - N))
    cntp = _sc_type_counts(ntp, edge_index[0].reshape(NW, EP),
                           edge_index[1].reshape(NW, EP), zeros_c)
    cnt = cntp.sum(axis=0).reshape(NP, 4)
    x, invd = _combine1(ntp.reshape(NP, 1), cnt, node_emb, Ws1, Wn1,
                        bs1.reshape(1, D), bn1.reshape(1, D))

    for (Ws, bs, Wn, bn) in ((Ws2, bs2, Wn2, bn2), (Ws3, bs3, Wn3, bn3)):
        p = _sc_aggregate(x, src_r, dst_r, zeros_x)
        x = _combine(x, p, invd, Ws, Wn, bs.reshape(1, D), bn.reshape(1, D))

    li = jnp.concatenate([edge_label_index[0],
                          edge_label_index[1]]).reshape(NW, _GB)
    g = _sc_gather_rows(x, li)
    return _head(g, hW1, hb1.reshape(1, D), hW2, hb2.reshape(1, 1))

# --- scband reference (transcript-rebuilt; emitter-appended) ---
"""Pipeline reference for scband-graph-head-31997506355644 (READ-ONLY COPY).

The authoritative reference and input builder live on the scoring server;
editing this copy changes nothing except your own understanding.
"""

import jax, jax.numpy as jnp
import numpy as np

N = 10000
E = 320000
D = 128
B = 1024


def setup_inputs(seed: int = 0) -> dict:
    key = jax.random.key(seed)
    ks = jax.random.split(key, 24)
    s = 1.0 / np.sqrt(D)
    inp = {
        "node_type": jax.random.randint(ks[0], (N,), 0, 4, dtype=jnp.int32),
        "edge_type": jax.random.randint(ks[1], (E,), 0, 4, dtype=jnp.int32),
        "edge_index": jax.random.randint(ks[2], (2, E), 0, N, dtype=jnp.int32),
        "edge_label_index": jax.random.randint(ks[3], (2, B), 0, N, dtype=jnp.int32),
        "node_emb": jax.random.normal(ks[4], (4, D), dtype=jnp.float32),
        "edge_emb": jax.random.normal(ks[5], (4, D), dtype=jnp.float32),
    }
    i = 6
    for l in (1, 2, 3):
        inp[f"Ws{l}"] = jax.random.normal(ks[i], (D, D), dtype=jnp.float32) * s; i += 1
        inp[f"bs{l}"] = jnp.zeros((D,), jnp.float32)
        inp[f"Wn{l}"] = jax.random.normal(ks[i], (D, D), dtype=jnp.float32) * s; i += 1
        inp[f"bn{l}"] = jnp.zeros((D,), jnp.float32)
    inp["hW1"] = jax.random.normal(ks[i], (2 * D, D), dtype=jnp.float32) * (1.0 / np.sqrt(2 * D)); i += 1
    inp["hb1"] = jnp.zeros((D,), jnp.float32)
    inp["hW2"] = jax.random.normal(ks[i], (D, 1), dtype=jnp.float32) * s; i += 1
    inp["hb2"] = jnp.zeros((1,), jnp.float32)
    return inp


def _sage(x, src, dst, Ws, bs, Wn, bn):
    # PyG SAGEConv with mean aggregation: lin_r(x) + lin_l(mean_{j in N(i)} x_j)
    agg = jax.ops.segment_sum(x[src], dst, num_segments=N)
    deg = jax.ops.segment_sum(jnp.ones((E,), jnp.float32), dst, num_segments=N)
    mean = agg / jnp.maximum(deg, 1.0)[:, None]
    return x @ Ws + bs + mean @ Wn + bn


def reference(node_type, edge_type, edge_index, edge_label_index,
              node_emb, edge_emb,
              Ws1, bs1, Wn1, bn1,
              Ws2, bs2, Wn2, bn2,
              Ws3, bs3, Wn3, bn3,
              hW1, hb1, hW2, hb2):
    # orig_forward with use_cl=use_pe=use_stats=False, use_bn=False, dropout=0 (eval)
    x = node_emb[node_type]
    xe = edge_emb[edge_type]  # computed as in orig_forward; SAGEConv ignores edge attrs
    src, dst = edge_index[0], edge_index[1]
    for (Ws, bs, Wn, bn) in ((Ws1, bs1, Wn1, bn1), (Ws2, bs2, Wn2, bn2), (Ws3, bs3, Wn3, bn3)):
        x = _sage(x, src, dst, Ws, bs, Wn, bn)
        x = jax.nn.relu(x)
    # src_dst_agg == 'concat': gather src/dst node reps for each labelled edge
    h = jnp.concatenate([x[edge_label_index[0]], x[edge_label_index[1]]], axis=1)
    # head MLP (2 layers, relu, no bn, no dropout), dim_out = 1
    h = jax.nn.relu(h @ hW1 + hb1)
    out = h @ hW2 + hb2
    return out

if __name__ == "__main__":
    import jax
    _d = setup_inputs()
    print(jax.jit(kernel)(*tuple(_d.values())))

</pallas_src>

<mosaic_0001>
#map = affine_map<(d0, d1) -> (0, 0)>
module attributes {stable_mosaic.version = 14 : i64} {
  func.func @_sc_gather_rows(%arg0: i32, %arg1: i32, %arg2: memref<10240x128xf32, #tpu.memory_space<hbm>>, %arg3: memref<32x64xi32, #tpu.memory_space<hbm>>, %arg4: memref<2048x128xf32, #tpu.memory_space<hbm>>, %arg5: memref<64xi32, #tpu.memory_space<vmem>>, %arg6: memref<64x128xf32, #tpu.memory_space<vmem>>, %arg7: memref<!tpu.dma_semaphore, #tpu.memory_space<semaphore_mem>>) attributes {dimension_semantics = [#tpu.dimension_semantics<core_parallel>, #tpu.dimension_semantics<subcore_parallel>], iteration_bounds = array<i64: 2, 16>, scalar_prefetch = 0 : i64, scratch_operands = 3 : i64, tpu.core_type = #tpu.core_type<sc_vector_subcore>, window_params = [{transform_indices = #map}, {transform_indices = #map}, {transform_indices = #map}]} {
    %mul3A = arith.constant 16 : i32
    %mul3A_0 = arith.muli %arg0, %mul3A : i32
    %add3A = arith.addi %mul3A_0, %arg1 : i32
    "tpu.region"() ({
      %run_scoped3A = tpu.sem_alloc : memref<!tpu.dma_semaphore, #tpu.memory_space<semaphore_mem>>
      %dma_start3A_7 = arith.constant 0 : i32
      %dma_start3A_8 = tpu.memref_slice %arg3[%add3A, %dma_start3A_7] : memref<32x64xi32, #tpu.memory_space<hbm>> -> memref<1x64xi32, #tpu.memory_space<hbm>>
      %dma_start3A_9 = tpu.memref_squeeze %dma_start3A_8 : memref<1x64xi32, #tpu.memory_space<hbm>> -> memref<64xi32, #tpu.memory_space<hbm>>
      %dma_start3A_10 = arith.constant 0 : i32
      %dma_start3A_11 = tpu.memref_slice %arg3[%add3A, %dma_start3A_10] : memref<32x64xi32, #tpu.memory_space<hbm>> -> memref<1x64xi32, #tpu.memory_space<hbm>>
      %dma_start3A_12 = tpu.memref_squeeze %dma_start3A_11 : memref<1x64xi32, #tpu.memory_space<hbm>> -> memref<64xi32, #tpu.memory_space<hbm>>
      tpu.enqueue_dma source(%dma_start3A_12 : memref<64xi32, #tpu.memory_space<hbm>>) target(%arg5 : memref<64xi32, #tpu.memory_space<vmem>>) target_semaphore(%run_scoped3A : memref<!tpu.dma_semaphore, #tpu.memory_space<semaphore_mem>>)
      %dma_wait3A_13 = arith.constant 0 : i32
      %dma_wait3A_14 = tpu.memref_slice %arg3[%add3A, %dma_wait3A_13] : memref<32x64xi32, #tpu.memory_space<hbm>> -> memref<1x64xi32, #tpu.memory_space<hbm>>
      %dma_wait3A_15 = tpu.memref_squeeze %dma_wait3A_14 : memref<1x64xi32, #tpu.memory_space<hbm>> -> memref<64xi32, #tpu.memory_space<hbm>>
      %dma_wait3A_16 = arith.constant 0 : i32
      %dma_wait3A_17 = tpu.memref_slice %arg3[%add3A, %dma_wait3A_16] : memref<32x64xi32, #tpu.memory_space<hbm>> -> memref<1x64xi32, #tpu.memory_space<hbm>>
      %dma_wait3A_18 = tpu.memref_squeeze %dma_wait3A_17 : memref<1x64xi32, #tpu.memory_space<hbm>> -> memref<64xi32, #tpu.memory_space<hbm>>
      tpu.wait_dma2 semaphore(%run_scoped3A : memref<!tpu.dma_semaphore, #tpu.memory_space<semaphore_mem>>) src(%dma_wait3A_18 : memref<64xi32, #tpu.memory_space<hbm>>) dst(%arg5 : memref<64xi32, #tpu.memory_space<vmem>>)
      tpu.yield
    }) : () -> ()
    %dma_start3A = arith.constant 0 : i32
    %dma_start3A_1 = arith.constant 0 : i32
    %dma_start3A_2 = tpu.memref_slice %arg2[%dma_start3A, %dma_start3A_1] : memref<10240x128xf32, #tpu.memory_space<hbm>> -> memref<10240x128xf32, #tpu.memory_space<hbm>>
    tpu.enqueue_indirect_dma source(%dma_start3A_2 : memref<10240x128xf32, #tpu.memory_space<hbm>>) target(%arg6 : memref<64x128xf32, #tpu.memory_space<vmem>>) offsets(%arg5 : memref<64xi32, #tpu.memory_space<vmem>>) semaphore(%arg7 : memref<!tpu.dma_semaphore, #tpu.memory_space<semaphore_mem>>)
    %dma_wait3A = arith.constant 0 : i32
    %dma_wait3A_3 = arith.constant 0 : i32
    %dma_wait3A_4 = tpu.memref_slice %arg2[%dma_wait3A, %dma_wait3A_3] : memref<10240x128xf32, #tpu.memory_space<hbm>> -> memref<10240x128xf32, #tpu.memory_space<hbm>>
    tpu.wait_indirect_dma semaphore(%arg7 : memref<!tpu.dma_semaphore, #tpu.memory_space<semaphore_mem>>) src(%dma_wait3A_4 : memref<10240x128xf32, #tpu.memory_space<hbm>>) dst(%arg6 : memref<64x128xf32, #tpu.memory_space<vmem>>)
    %mul3A_5 = arith.constant 64 : i32
    %mul3A_6 = arith.muli %add3A, %mul3A_5 : i32
    "tpu.region"() ({
      %run_scoped3A = tpu.sem_alloc : memref<!tpu.dma_semaphore, #tpu.memory_space<semaphore_mem>>
      %dma_start3A_7 = arith.constant 0 : i32
      %dma_start3A_8 = tpu.memref_slice %arg4[%mul3A_6, %dma_start3A_7] : memref<2048x128xf32, #tpu.memory_space<hbm>> -> memref<64x128xf32, #tpu.memory_space<hbm>>
      %dma_start3A_9 = arith.constant 0 : i32
      %dma_start3A_10 = tpu.memref_slice %arg4[%mul3A_6, %dma_start3A_9] : memref<2048x128xf32, #tpu.memory_space<hbm>> -> memref<64x128xf32, #tpu.memory_space<hbm>>
      tpu.enqueue_dma source(%arg6 : memref<64x128xf32, #tpu.memory_space<vmem>>) target(%dma_start3A_10 : memref<64x128xf32, #tpu.memory_space<hbm>>) target_semaphore(%run_scoped3A : memref<!tpu.dma_semaphore, #tpu.memory_space<semaphore_mem>>)
      %dma_wait3A_11 = arith.constant 0 : i32
      %dma_wait3A_12 = tpu.memref_slice %arg4[%mul3A_6, %dma_wait3A_11] : memref<2048x128xf32, #tpu.memory_space<hbm>> -> memref<64x128xf32, #tpu.memory_space<hbm>>
      %dma_wait3A_13 = arith.constant 0 : i32
      %dma_wait3A_14 = tpu.memref_slice %arg4[%mul3A_6, %dma_wait3A_13] : memref<2048x128xf32, #tpu.memory_space<hbm>> -> memref<64x128xf32, #tpu.memory_space<hbm>>
      tpu.wait_dma2 semaphore(%run_scoped3A : memref<!tpu.dma_semaphore, #tpu.memory_space<semaphore_mem>>) src(%arg6 : memref<64x128xf32, #tpu.memory_space<vmem>>) dst(%dma_wait3A_14 : memref<64x128xf32, #tpu.memory_space<hbm>>)
      tpu.yield
    }) : () -> ()
    return
  }
}

#map = affine_map<(d0, d1) -> (0, 0)>
#map1 = affine_map<(d0, d1) -> (0, 0, 0)>
module attributes {stable_mosaic.version = 14 : i64} {
  func.func @_sc_aggregate(%arg0: i32, %arg1: i32, %arg2: memref<10240x128xf32, #tpu.memory_space<hbm>>, %arg3: memref<32x10000xi32, #tpu.memory_space<hbm>>, %arg4: memref<32x125x80xi32, #tpu.memory_space<hbm>>, %arg5: memref<640x128xf32, #tpu.memory_space<hbm>>, %arg6: memref<2x10240x128xf32, #tpu.memory_space<hbm>>, %arg7: memref<10000xi32, #tpu.memory_space<vmem>>, %arg8: memref<125x80xi32, #tpu.memory_space<vmem>>, %arg9: memref<80x128xf32, #tpu.memory_space<vmem>>, %arg10: memref<80x128xf32, #tpu.memory_space<vmem>>, %arg11: memref<10240x128xf32, #tpu.memory_space<vmem_shared>>, %arg12: memref<!tpu.dma_semaphore, #tpu.memory_space<semaphore_mem>>, %arg13: memref<!tpu.dma_semaphore, #tpu.memory_space<semaphore_mem>>) attributes {dimension_semantics = [#tpu.dimension_semantics<core_parallel>, #tpu.dimension_semantics<subcore_parallel>], iteration_bounds = array<i64: 2, 16>, scalar_prefetch = 0 : i64, scratch_operands = 7 : i64, tpu.core_type = #tpu.core_type<sc_vector_subcore>, window_params = [{transform_indices = #map}, {transform_indices = #map}, {transform_indices = #map1}, {transform_indices = #map}, {transform_indices = #map1}]} {
    %mul3A = arith.constant 16 : i32
    %mul3A_0 = arith.muli %arg0, %mul3A : i32
    %add3A = arith.addi %mul3A_0, %arg1 : i32
    "tpu.region"() ({
      %run_scoped3A_21 = tpu.sem_alloc : memref<!tpu.dma_semaphore, #tpu.memory_space<semaphore_mem>>
      %dma_start3A_22 = arith.constant 0 : i32
      %dma_start3A_23 = tpu.memref_slice %arg3[%add3A, %dma_start3A_22] : memref<32x10000xi32, #tpu.memory_space<hbm>> -> memref<1x10000xi32, #tpu.memory_space<hbm>>
      %dma_start3A_24 = tpu.memref_squeeze %dma_start3A_23 : memref<1x10000xi32, #tpu.memory_space<hbm>> -> memref<10000xi32, #tpu.memory_space<hbm>>
      %dma_start3A_25 = arith.constant 0 : i32
      %dma_start3A_26 = tpu.memref_slice %arg3[%add3A, %dma_start3A_25] : memref<32x10000xi32, #tpu.memory_space<hbm>> -> memref<1x10000xi32, #tpu.memory_space<hbm>>
      %dma_start3A_27 = tpu.memref_squeeze %dma_start3A_26 : memref<1x10000xi32, #tpu.memory_space<hbm>> -> memref<10000xi32, #tpu.memory_space<hbm>>
      tpu.enqueue_dma source(%dma_start3A_27 : memref<10000xi32, #tpu.memory_space<hbm>>) target(%arg7 : memref<10000xi32, #tpu.memory_space<vmem>>) target_semaphore(%run_scoped3A_21 : memref<!tpu.dma_semaphore, #tpu.memory_space<semaphore_mem>>)
      %dma_wait3A_28 = arith.constant 0 : i32
      %dma_wait3A_29 = tpu.memref_slice %arg3[%add3A, %dma_wait3A_28] : memref<32x10000xi32, #tpu.memory_space<hbm>> -> memref<1x10000xi32, #tpu.memory_space<hbm>>
      %dma_wait3A_30 = tpu.memref_squeeze %dma_wait3A_29 : memref<1x10000xi32, #tpu.memory_space<hbm>> -> memref<10000xi32, #tpu.memory_space<hbm>>
      %dma_wait3A_31 = arith.constant 0 : i32
      %dma_wait3A_32 = tpu.memref_slice %arg3[%add3A, %dma_wait3A_31] : memref<32x10000xi32, #tpu.memory_space<hbm>> -> memref<1x10000xi32, #tpu.memory_space<hbm>>
      %dma_wait3A_33 = tpu.memref_squeeze %dma_wait3A_32 : memref<1x10000xi32, #tpu.memory_space<hbm>> -> memref<10000xi32, #tpu.memory_space<hbm>>
      tpu.wait_dma2 semaphore(%run_scoped3A_21 : memref<!tpu.dma_semaphore, #tpu.memory_space<semaphore_mem>>) src(%dma_wait3A_33 : memref<10000xi32, #tpu.memory_space<hbm>>) dst(%arg7 : memref<10000xi32, #tpu.memory_space<vmem>>)
      tpu.yield
    }) : () -> ()
    "tpu.region"() ({
      %run_scoped3A_21 = tpu.sem_alloc : memref<!tpu.dma_semaphore, #tpu.memory_space<semaphore_mem>>
      %dma_start3A_22 = arith.constant 0 : i32
      %dma_start3A_23 = arith.constant 0 : i32
      %dma_start3A_24 = tpu.memref_slice %arg4[%add3A, %dma_start3A_22, %dma_start3A_23] : memref<32x125x80xi32, #tpu.memory_space<hbm>> -> memref<1x125x80xi32, #tpu.memory_space<hbm>>
      %dma_start3A_25 = tpu.memref_squeeze %dma_start3A_24 : memref<1x125x80xi32, #tpu.memory_space<hbm>> -> memref<125x80xi32, #tpu.memory_space<hbm>>
      %dma_start3A_26 = arith.constant 0 : i32
      %dma_start3A_27 = arith.constant 0 : i32
      %dma_start3A_28 = tpu.memref_slice %arg4[%add3A, %dma_start3A_26, %dma_start3A_27] : memref<32x125x80xi32, #tpu.memory_space<hbm>> -> memref<1x125x80xi32, #tpu.memory_space<hbm>>
      %dma_start3A_29 = tpu.memref_squeeze %dma_start3A_28 : memref<1x125x80xi32, #tpu.memory_space<hbm>> -> memref<125x80xi32, #tpu.memory_space<hbm>>
      tpu.enqueue_dma source(%dma_start3A_29 : memref<125x80xi32, #tpu.memory_space<hbm>>) target(%arg8 : memref<125x80xi32, #tpu.memory_space<vmem>>) target_semaphore(%run_scoped3A_21 : memref<!tpu.dma_semaphore, #tpu.memory_space<semaphore_mem>>)
      %dma_wait3A_30 = arith.constant 0 : i32
      %dma_wait3A_31 = arith.constant 0 : i32
      %dma_wait3A_32 = tpu.memref_slice %arg4[%add3A, %dma_wait3A_30, %dma_wait3A_31] : memref<32x125x80xi32, #tpu.memory_space<hbm>> -> memref<1x125x80xi32, #tpu.memory_space<hbm>>
      %dma_wait3A_33 = tpu.memref_squeeze %dma_wait3A_32 : memref<1x125x80xi32, #tpu.memory_space<hbm>> -> memref<125x80xi32, #tpu.memory_space<hbm>>
      %dma_wait3A_34 = arith.constant 0 : i32
      %dma_wait3A_35 = arith.constant 0 : i32
      %dma_wait3A_36 = tpu.memref_slice %arg4[%add3A, %dma_wait3A_34, %dma_wait3A_35] : memref<32x125x80xi32, #tpu.memory_space<hbm>> -> memref<1x125x80xi32, #tpu.memory_space<hbm>>
      %dma_wait3A_37 = tpu.memref_squeeze %dma_wait3A_36 : memref<1x125x80xi32, #tpu.memory_space<hbm>> -> memref<125x80xi32, #tpu.memory_space<hbm>>
      tpu.wait_dma2 semaphore(%run_scoped3A_21 : memref<!tpu.dma_semaphore, #tpu.memory_space<semaphore_mem>>) src(%dma_wait3A_37 : memref<125x80xi32, #tpu.memory_space<hbm>>) dst(%arg8 : memref<125x80xi32, #tpu.memory_space<vmem>>)
      tpu.yield
    }) : () -> ()
    %mul3A_1 = arith.constant 640 : i32
    %mul3A_2 = arith.muli %arg1, %mul3A_1 : i32
    "tpu.region"() ({
      %run_scoped3A_21 = tpu.sem_alloc : memref<!tpu.dma_semaphore, #tpu.memory_space<semaphore_mem>>
      %dma_start3A_22 = arith.constant 0 : i32
      %dma_start3A_23 = tpu.memref_slice %arg11[%mul3A_2, %dma_start3A_22] : memref<10240x128xf32, #tpu.memory_space<vmem_shared>> -> memref<640x128xf32, #tpu.memory_space<vmem_shared>>
      tpu.enqueue_dma source(%arg5 : memref<640x128xf32, #tpu.memory_space<hbm>>) target(%dma_start3A_23 : memref<640x128xf32, #tpu.memory_space<vmem_shared>>) target_semaphore(%run_scoped3A_21 : memref<!tpu.dma_semaphore, #tpu.memory_space<semaphore_mem>>)
      %dma_wait3A_24 = arith.constant 0 : i32
      %dma_wait3A_25 = tpu.memref_slice %arg11[%mul3A_2, %dma_wait3A_24] : memref<10240x128xf32, #tpu.memory_space<vmem_shared>> -> memref<640x128xf32, #tpu.memory_space<vmem_shared>>
      tpu.wait_dma2 semaphore(%run_scoped3A_21 : memref<!tpu.dma_semaphore, #tpu.memory_space<semaphore_mem>>) src(%arg5 : memref<640x128xf32, #tpu.memory_space<hbm>>) dst(%dma_wait3A_25 : memref<640x128xf32, #tpu.memory_space<vmem_shared>>)
      tpu.yield
    }) : () -> ()
    %barrier3A = arith.constant 0 : index
    tpu.barrier barrier_id(%barrier3A)
    %dma_start3A = arith.constant 0 : i32
    %dma_start3A_3 = tpu.memref_slice %arg7[%dma_start3A] : memref<10000xi32, #tpu.memory_space<vmem>> -> memref<80xi32, #tpu.memory_space<vmem>>
    %dma_start3A_4 = arith.constant 0 : i32
    %dma_start3A_5 = arith.constant 0 : i32
    %dma_start3A_6 = tpu.memref_slice %arg2[%dma_start3A_4, %dma_start3A_5] : memref<10240x128xf32, #tpu.memory_space<hbm>> -> memref<10240x128xf32, #tpu.memory_space<hbm>>
    tpu.enqueue_indirect_dma source(%dma_start3A_6 : memref<10240x128xf32, #tpu.memory_space<hbm>>) target(%arg9 : memref<80x128xf32, #tpu.memory_space<vmem>>) offsets(%dma_start3A_3 : memref<80xi32, #tpu.memory_space<vmem>>) semaphore(%arg12 : memref<!tpu.dma_semaphore, #tpu.memory_space<semaphore_mem>>)
    %scan3A = arith.constant 0 : i32
    %scan3A_7 = arith.constant 0 : i32
    %scan3A_8 = arith.constant 62 : i32
    %scan3A_9 = arith.addi %scan3A_7, %scan3A_8 : i32
    %scan3A_10 = arith.constant 1 : i32
    scf.for %scan3A_21 = %scan3A_7 to %scan3A_9 step %scan3A_10  : i32 {
      %mul3A_22 = arith.constant 2 : i32
      %mul3A_23 = arith.muli %mul3A_22, %scan3A_21 : i32
      %add3A_24 = arith.constant 1 : i32
      %add3A_25 = arith.addi %mul3A_23, %add3A_24 : i32
      %mul3A_26 = arith.constant 80 : i32
      %mul3A_27 = arith.muli %add3A_25, %mul3A_26 : i32
      %dma_start3A_28 = tpu.memref_slice %arg7[%mul3A_27] : memref<10000xi32, #tpu.memory_space<vmem>> -> memref<80xi32, #tpu.memory_space<vmem>>
      %dma_start3A_29 = arith.constant 0 : i32
      %dma_start3A_30 = arith.constant 0 : i32
      %dma_start3A_31 = tpu.memref_slice %arg2[%dma_start3A_29, %dma_start3A_30] : memref<10240x128xf32, #tpu.memory_space<hbm>> -> memref<10240x128xf32, #tpu.memory_space<hbm>>
      tpu.enqueue_indirect_dma source(%dma_start3A_31 : memref<10240x128xf32, #tpu.memory_space<hbm>>) target(%arg10 : memref<80x128xf32, #tpu.memory_space<vmem>>) offsets(%dma_start3A_28 : memref<80xi32, #tpu.memory_space<vmem>>) semaphore(%arg13 : memref<!tpu.dma_semaphore, #tpu.memory_space<semaphore_mem>>)
      %mul3A_32 = arith.constant 80 : i32
      %mul3A_33 = arith.muli %mul3A_23, %mul3A_32 : i32
      %dma_wait3A_34 = tpu.memref_slice %arg7[%mul3A_33] : memref<10000xi32, #tpu.memory_space<vmem>> -> memref<80xi32, #tpu.memory_space<vmem>>
      %dma_wait3A_35 = arith.constant 0 : i32
      %dma_wait3A_36 = arith.constant 0 : i32
      %dma_wait3A_37 = tpu.memref_slice %arg2[%dma_wait3A_35, %dma_wait3A_36] : memref<10240x128xf32, #tpu.memory_space<hbm>> -> memref<10240x128xf32, #tpu.memory_space<hbm>>
      tpu.wait_indirect_dma semaphore(%arg12 : memref<!tpu.dma_semaphore, #tpu.memory_space<semaphore_mem>>) src(%dma_wait3A_37 : memref<10240x128xf32, #tpu.memory_space<hbm>>) dst(%arg9 : memref<80x128xf32, #tpu.memory_space<vmem>>)
      "tpu.region"() ({
        %run_scoped3A_56 = tpu.sem_alloc : memref<!tpu.dma_semaphore, #tpu.memory_space<semaphore_mem>>
        %dma_start3A_57 = arith.constant 0 : i32
        %dma_start3A_58 = tpu.memref_slice %arg8[%mul3A_23, %dma_start3A_57] : memref<125x80xi32, #tpu.memory_space<vmem>> -> memref<1x80xi32, #tpu.memory_space<vmem>>
        %dma_start3A_59 = tpu.memref_squeeze %dma_start3A_58 : memref<1x80xi32, #tpu.memory_space<vmem>> -> memref<80xi32, #tpu.memory_space<vmem>>
        %dma_start3A_60 = arith.constant 0 : i32
        %dma_start3A_61 = arith.constant 0 : i32
        %dma_start3A_62 = tpu.memref_slice %arg11[%dma_start3A_60, %dma_start3A_61] : memref<10240x128xf32, #tpu.memory_space<vmem_shared>> -> memref<10240x128xf32, #tpu.memory_space<vmem_shared>>
        tpu.enqueue_indirect_dma source(%arg9 : memref<80x128xf32, #tpu.memory_space<vmem>>) target(%dma_start3A_62 : memref<10240x128xf32, #tpu.memory_space<vmem_shared>>) offsets(%dma_start3A_59 : memref<80xi32, #tpu.memory_space<vmem>>) semaphore(%run_scoped3A_56 : memref<!tpu.dma_semaphore, #tpu.memory_space<semaphore_mem>>) {add = true}
        %dma_wait3A_63 = arith.constant 0 : i32
        %dma_wait3A_64 = tpu.memref_slice %arg8[%mul3A_23, %dma_wait3A_63] : memref<125x80xi32, #tpu.memory_space<vmem>> -> memref<1x80xi32, #tpu.memory_space<vmem>>
        %dma_wait3A_65 = tpu.memref_squeeze %dma_wait3A_64 : memref<1x80xi32, #tpu.memory_space<vmem>> -> memref<80xi32, #tpu.memory_space<vmem>>
        %dma_wait3A_66 = arith.constant 0 : i32
        %dma_wait3A_67 = arith.constant 0 : i32
        %dma_wait3A_68 = tpu.memref_slice %arg11[%dma_wait3A_66, %dma_wait3A_67] : memref<10240x128xf32, #tpu.memory_space<vmem_shared>> -> memref<10240x128xf32, #tpu.memory_space<vmem_shared>>
        tpu.wait_indirect_dma semaphore(%run_scoped3A_56 : memref<!tpu.dma_semaphore, #tpu.memory_space<semaphore_mem>>) src(%arg9 : memref<80x128xf32, #tpu.memory_space<vmem>>) dst(%dma_wait3A_68 : memref<10240x128xf32, #tpu.memory_space<vmem_shared>>)
        tpu.yield
      }) : () -> ()
      %add3A_38 = arith.constant 2 : i32
      %add3A_39 = arith.addi %mul3A_23, %add3A_38 : i32
      %mul3A_40 = arith.constant 80 : i32
      %mul3A_41 = arith.muli %add3A_39, %mul3A_40 : i32
      %dma_start3A_42 = tpu.memref_slice %arg7[%mul3A_41] : memref<10000xi32, #tpu.memory_space<vmem>> -> memref<80xi32, #tpu.memory_space<vmem>>
      %dma_start3A_43 = arith.constant 0 : i32
      %dma_start3A_44 = arith.constant 0 : i32
      %dma_start3A_45 = tpu.memref_slice %arg2[%dma_start3A_43, %dma_start3A_44] : memref<10240x128xf32, #tpu.memory_space<hbm>> -> memref<10240x128xf32, #tpu.memory_space<hbm>>
      tpu.enqueue_indirect_dma source(%dma_start3A_45 : memref<10240x128xf32, #tpu.memory_space<hbm>>) target(%arg9 : memref<80x128xf32, #tpu.memory_space<vmem>>) offsets(%dma_start3A_42 : memref<80xi32, #tpu.memory_space<vmem>>) semaphore(%arg12 : memref<!tpu.dma_semaphore, #tpu.memory_space<semaphore_mem>>)
      %add3A_46 = arith.constant 1 : i32
      %add3A_47 = arith.addi %mul3A_23, %add3A_46 : i32
      %mul3A_48 = arith.constant 80 : i32
      %mul3A_49 = arith.muli %add3A_47, %mul3A_48 : i32
      %dma_wait3A_50 = tpu.memref_slice %arg7[%mul3A_49] : memref<10000xi32, #tpu.memory_space<vmem>> -> memref<80xi32, #tpu.memory_space<vmem>>
      %dma_wait3A_51 = arith.constant 0 : i32
      %dma_wait3A_52 = arith.constant 0 : i32
      %dma_wait3A_53 = tpu.memref_slice %arg2[%dma_wait3A_51, %dma_wait3A_52] : memref<10240x128xf32, #tpu.memory_space<hbm>> -> memref<10240x128xf32, #tpu.memory_space<hbm>>
      tpu.wait_indirect_dma semaphore(%arg13 : memref<!tpu.dma_semaphore, #tpu.memory_space<semaphore_mem>>) src(%dma_wait3A_53 : memref<10240x128xf32, #tpu.memory_space<hbm>>) dst(%arg10 : memref<80x128xf32, #tpu.memory_space<vmem>>)
      %add3A_54 = arith.constant 1 : i32
      %add3A_55 = arith.addi %mul3A_23, %add3A_54 : i32
      "tpu.region"() ({
        %run_scoped3A_56 = tpu.sem_alloc : memref<!tpu.dma_semaphore, #tpu.memory_space<semaphore_mem>>
        %dma_start3A_57 = arith.constant 0 : i32
        %dma_start3A_58 = tpu.memref_slice %arg8[%add3A_55, %dma_start3A_57] : memref<125x80xi32, #tpu.memory_space<vmem>> -> memref<1x80xi32, #tpu.memory_space<vmem>>
        %dma_start3A_59 = tpu.memref_squeeze %dma_start3A_58 : memref<1x80xi32, #tpu.memory_space<vmem>> -> memref<80xi32, #tpu.memory_space<vmem>>
        %dma_start3A_60 = arith.constant 0 : i32
        %dma_start3A_61 = arith.constant 0 : i32
        %dma_start3A_62 = tpu.memref_slice %arg11[%dma_start3A_60, %dma_start3A_61] : memref<10240x128xf32, #tpu.memory_space<vmem_shared>> -> memref<10240x128xf32, #tpu.memory_space<vmem_shared>>
        tpu.enqueue_indirect_dma source(%arg10 : memref<80x128xf32, #tpu.memory_space<vmem>>) target(%dma_start3A_62 : memref<10240x128xf32, #tpu.memory_space<vmem_shared>>) offsets(%dma_start3A_59 : memref<80xi32, #tpu.memory_space<vmem>>) semaphore(%run_scoped3A_56 : memref<!tpu.dma_semaphore, #tpu.memory_space<semaphore_mem>>) {add = true}
        %dma_wait3A_63 = arith.constant 0 : i32
        %dma_wait3A_64 = tpu.memref_slice %arg8[%add3A_55, %dma_wait3A_63] : memref<125x80xi32, #tpu.memory_space<vmem>> -> memref<1x80xi32, #tpu.memory_space<vmem>>
        %dma_wait3A_65 = tpu.memref_squeeze %dma_wait3A_64 : memref<1x80xi32, #tpu.memory_space<vmem>> -> memref<80xi32, #tpu.memory_space<vmem>>
        %dma_wait3A_66 = arith.constant 0 : i32
        %dma_wait3A_67 = arith.constant 0 : i32
        %dma_wait3A_68 = tpu.memref_slice %arg11[%dma_wait3A_66, %dma_wait3A_67] : memref<10240x128xf32, #tpu.memory_space<vmem_shared>> -> memref<10240x128xf32, #tpu.memory_space<vmem_shared>>
        tpu.wait_indirect_dma semaphore(%run_scoped3A_56 : memref<!tpu.dma_semaphore, #tpu.memory_space<semaphore_mem>>) src(%arg10 : memref<80x128xf32, #tpu.memory_space<vmem>>) dst(%dma_wait3A_68 : memref<10240x128xf32, #tpu.memory_space<vmem_shared>>)
        tpu.yield
      }) : () -> ()
    }
    %scan3A_11 = arith.constant 62 : i32
    %dma_wait3A = arith.constant 9920 : i32
    %dma_wait3A_12 = tpu.memref_slice %arg7[%dma_wait3A] : memref<10000xi32, #tpu.memory_space<vmem>> -> memref<80xi32, #tpu.memory_space<vmem>>
    %dma_wait3A_13 = arith.constant 0 : i32
    %dma_wait3A_14 = arith.constant 0 : i32
    %dma_wait3A_15 = tpu.memref_slice %arg2[%dma_wait3A_13, %dma_wait3A_14] : memref<10240x128xf32, #tpu.memory_space<hbm>> -> memref<10240x128xf32, #tpu.memory_space<hbm>>
    tpu.wait_indirect_dma semaphore(%arg12 : memref<!tpu.dma_semaphore, #tpu.memory_space<semaphore_mem>>) src(%dma_wait3A_15 : memref<10240x128xf32, #tpu.memory_space<hbm>>) dst(%arg9 : memref<80x128xf32, #tpu.memory_space<vmem>>)
    %run_scoped3A = arith.constant 124 : i32
    "tpu.region"() ({
      %run_scoped3A_21 = tpu.sem_alloc : memref<!tpu.dma_semaphore, #tpu.memory_space<semaphore_mem>>
      %dma_start3A_22 = arith.constant 0 : i32
      %dma_start3A_23 = tpu.memref_slice %arg8[%run_scoped3A, %dma_start3A_22] : memref<125x80xi32, #tpu.memory_space<vmem>> -> memref<1x80xi32, #tpu.memory_space<vmem>>
      %dma_start3A_24 = tpu.memref_squeeze %dma_start3A_23 : memref<1x80xi32, #tpu.memory_space<vmem>> -> memref<80xi32, #tpu.memory_space<vmem>>
      %dma_start3A_25 = arith.constant 0 : i32
      %dma_start3A_26 = arith.constant 0 : i32
      %dma_start3A_27 = tpu.memref_slice %arg11[%dma_start3A_25, %dma_start3A_26] : memref<10240x128xf32, #tpu.memory_space<vmem_shared>> -> memref<10240x128xf32, #tpu.memory_space<vmem_shared>>
      tpu.enqueue_indirect_dma source(%arg9 : memref<80x128xf32, #tpu.memory_space<vmem>>) target(%dma_start3A_27 : memref<10240x128xf32, #tpu.memory_space<vmem_shared>>) offsets(%dma_start3A_24 : memref<80xi32, #tpu.memory_space<vmem>>) semaphore(%run_scoped3A_21 : memref<!tpu.dma_semaphore, #tpu.memory_space<semaphore_mem>>) {add = true}
      %dma_wait3A_28 = arith.constant 0 : i32
      %dma_wait3A_29 = tpu.memref_slice %arg8[%run_scoped3A, %dma_wait3A_28] : memref<125x80xi32, #tpu.memory_space<vmem>> -> memref<1x80xi32, #tpu.memory_space<vmem>>
      %dma_wait3A_30 = tpu.memref_squeeze %dma_wait3A_29 : memref<1x80xi32, #tpu.memory_space<vmem>> -> memref<80xi32, #tpu.memory_space<vmem>>
      %dma_wait3A_31 = arith.constant 0 : i32
      %dma_wait3A_32 = arith.constant 0 : i32
      %dma_wait3A_33 = tpu.memref_slice %arg11[%dma_wait3A_31, %dma_wait3A_32] : memref<10240x128xf32, #tpu.memory_space<vmem_shared>> -> memref<10240x128xf32, #tpu.memory_space<vmem_shared>>
      tpu.wait_indirect_dma semaphore(%run_scoped3A_21 : memref<!tpu.dma_semaphore, #tpu.memory_space<semaphore_mem>>) src(%arg9 : memref<80x128xf32, #tpu.memory_space<vmem>>) dst(%dma_wait3A_33 : memref<10240x128xf32, #tpu.memory_space<vmem_shared>>)
      tpu.yield
    }) : () -> ()
    %barrier3A_16 = arith.constant 0 : index
    tpu.barrier barrier_id(%barrier3A_16)
    %mul3A_17 = arith.constant 640 : i32
    %mul3A_18 = arith.muli %arg1, %mul3A_17 : i32
    %mul3A_19 = arith.constant 640 : i32
    %mul3A_20 = arith.muli %arg1, %mul3A_19 : i32
    "tpu.region"() ({
      %run_scoped3A_21 = tpu.sem_alloc : memref<!tpu.dma_semaphore, #tpu.memory_space<semaphore_mem>>
      %dma_start3A_22 = arith.constant 0 : i32
      %dma_start3A_23 = tpu.memref_slice %arg6[%arg0, %mul3A_20, %dma_start3A_22] : memref<2x10240x128xf32, #tpu.memory_space<hbm>> -> memref<1x640x128xf32, #tpu.memory_space<hbm>>
      %dma_start3A_24 = tpu.memref_squeeze %dma_start3A_23 : memref<1x640x128xf32, #tpu.memory_space<hbm>> -> memref<640x128xf32, #tpu.memory_space<hbm>>
      %dma_start3A_25 = arith.constant 0 : i32
      %dma_start3A_26 = tpu.memref_slice %arg11[%mul3A_18, %dma_start3A_25] : memref<10240x128xf32, #tpu.memory_space<vmem_shared>> -> memref<640x128xf32, #tpu.memory_space<vmem_shared>>
      tpu.enqueue_dma source(%dma_start3A_26 : memref<640x128xf32, #tpu.memory_space<vmem_shared>>) target(%dma_start3A_24 : memref<640x128xf32, #tpu.memory_space<hbm>>) target_semaphore(%run_scoped3A_21 : memref<!tpu.dma_semaphore, #tpu.memory_space<semaphore_mem>>)
      %dma_wait3A_27 = arith.constant 0 : i32
      %dma_wait3A_28 = tpu.memref_slice %arg6[%arg0, %mul3A_20, %dma_wait3A_27] : memref<2x10240x128xf32, #tpu.memory_space<hbm>> -> memref<1x640x128xf32, #tpu.memory_space<hbm>>
      %dma_wait3A_29 = tpu.memref_squeeze %dma_wait3A_28 : memref<1x640x128xf32, #tpu.memory_space<hbm>> -> memref<640x128xf32, #tpu.memory_space<hbm>>
      %dma_wait3A_30 = arith.constant 0 : i32
      %dma_wait3A_31 = tpu.memref_slice %arg11[%mul3A_18, %dma_wait3A_30] : memref<10240x128xf32, #tpu.memory_space<vmem_shared>> -> memref<640x128xf32, #tpu.memory_space<vmem_shared>>
      tpu.wait_dma2 semaphore(%run_scoped3A_21 : memref<!tpu.dma_semaphore, #tpu.memory_space<semaphore_mem>>) src(%dma_wait3A_31 : memref<640x128xf32, #tpu.memory_space<vmem_shared>>) dst(%dma_wait3A_29 : memref<640x128xf32, #tpu.memory_space<hbm>>)
      tpu.yield
    }) : () -> ()
    return
  }
}

#map = affine_map<(d0, d1) -> (0, 0)>
#map1 = affine_map<(d0, d1) -> (0, 0, 0)>
module attributes {stable_mosaic.version = 14 : i64} {
  func.func @_sc_aggregate(%arg0: i32, %arg1: i32, %arg2: memref<10240x128xf32, #tpu.memory_space<hbm>>, %arg3: memref<32x10000xi32, #tpu.memory_space<hbm>>, %arg4: memref<32x125x80xi32, #tpu.memory_space<hbm>>, %arg5: memref<640x128xf32, #tpu.memory_space<hbm>>, %arg6: memref<2x10240x128xf32, #tpu.memory_space<hbm>>, %arg7: memref<10000xi32, #tpu.memory_space<vmem>>, %arg8: memref<125x80xi32, #tpu.memory_space<vmem>>, %arg9: memref<80x128xf32, #tpu.memory_space<vmem>>, %arg10: memref<80x128xf32, #tpu.memory_space<vmem>>, %arg11: memref<10240x128xf32, #tpu.memory_space<vmem_shared>>, %arg12: memref<!tpu.dma_semaphore, #tpu.memory_space<semaphore_mem>>, %arg13: memref<!tpu.dma_semaphore, #tpu.memory_space<semaphore_mem>>) attributes {dimension_semantics = [#tpu.dimension_semantics<core_parallel>, #tpu.dimension_semantics<subcore_parallel>], iteration_bounds = array<i64: 2, 16>, scalar_prefetch = 0 : i64, scratch_operands = 7 : i64, tpu.core_type = #tpu.core_type<sc_vector_subcore>, window_params = [{transform_indices = #map}, {transform_indices = #map}, {transform_indices = #map1}, {transform_indices = #map}, {transform_indices = #map1}]} {
    %mul3A = arith.constant 16 : i32
    %mul3A_0 = arith.muli %arg0, %mul3A : i32
    %add3A = arith.addi %mul3A_0, %arg1 : i32
    "tpu.region"() ({
      %run_scoped3A_21 = tpu.sem_alloc : memref<!tpu.dma_semaphore, #tpu.memory_space<semaphore_mem>>
      %dma_start3A_22 = arith.constant 0 : i32
      %dma_start3A_23 = tpu.memref_slice %arg3[%add3A, %dma_start3A_22] : memref<32x10000xi32, #tpu.memory_space<hbm>> -> memref<1x10000xi32, #tpu.memory_space<hbm>>
      %dma_start3A_24 = tpu.memref_squeeze %dma_start3A_23 : memref<1x10000xi32, #tpu.memory_space<hbm>> -> memref<10000xi32, #tpu.memory_space<hbm>>
      %dma_start3A_25 = arith.constant 0 : i32
      %dma_start3A_26 = tpu.memref_slice %arg3[%add3A, %dma_start3A_25] : memref<32x10000xi32, #tpu.memory_space<hbm>> -> memref<1x10000xi32, #tpu.memory_space<hbm>>
      %dma_start3A_27 = tpu.memref_squeeze %dma_start3A_26 : memref<1x10000xi32, #tpu.memory_space<hbm>> -> memref<10000xi32, #tpu.memory_space<hbm>>
      tpu.enqueue_dma source(%dma_start3A_27 : memref<10000xi32, #tpu.memory_space<hbm>>) target(%arg7 : memref<10000xi32, #tpu.memory_space<vmem>>) target_semaphore(%run_scoped3A_21 : memref<!tpu.dma_semaphore, #tpu.memory_space<semaphore_mem>>)
      %dma_wait3A_28 = arith.constant 0 : i32
      %dma_wait3A_29 = tpu.memref_slice %arg3[%add3A, %dma_wait3A_28] : memref<32x10000xi32, #tpu.memory_space<hbm>> -> memref<1x10000xi32, #tpu.memory_space<hbm>>
      %dma_wait3A_30 = tpu.memref_squeeze %dma_wait3A_29 : memref<1x10000xi32, #tpu.memory_space<hbm>> -> memref<10000xi32, #tpu.memory_space<hbm>>
      %dma_wait3A_31 = arith.constant 0 : i32
      %dma_wait3A_32 = tpu.memref_slice %arg3[%add3A, %dma_wait3A_31] : memref<32x10000xi32, #tpu.memory_space<hbm>> -> memref<1x10000xi32, #tpu.memory_space<hbm>>
      %dma_wait3A_33 = tpu.memref_squeeze %dma_wait3A_32 : memref<1x10000xi32, #tpu.memory_space<hbm>> -> memref<10000xi32, #tpu.memory_space<hbm>>
      tpu.wait_dma2 semaphore(%run_scoped3A_21 : memref<!tpu.dma_semaphore, #tpu.memory_space<semaphore_mem>>) src(%dma_wait3A_33 : memref<10000xi32, #tpu.memory_space<hbm>>) dst(%arg7 : memref<10000xi32, #tpu.memory_space<vmem>>)
      tpu.yield
    }) : () -> ()
    "tpu.region"() ({
      %run_scoped3A_21 = tpu.sem_alloc : memref<!tpu.dma_semaphore, #tpu.memory_space<semaphore_mem>>
      %dma_start3A_22 = arith.constant 0 : i32
      %dma_start3A_23 = arith.constant 0 : i32
      %dma_start3A_24 = tpu.memref_slice %arg4[%add3A, %dma_start3A_22, %dma_start3A_23] : memref<32x125x80xi32, #tpu.memory_space<hbm>> -> memref<1x125x80xi32, #tpu.memory_space<hbm>>
      %dma_start3A_25 = tpu.memref_squeeze %dma_start3A_24 : memref<1x125x80xi32, #tpu.memory_space<hbm>> -> memref<125x80xi32, #tpu.memory_space<hbm>>
      %dma_start3A_26 = arith.constant 0 : i32
      %dma_start3A_27 = arith.constant 0 : i32
      %dma_start3A_28 = tpu.memref_slice %arg4[%add3A, %dma_start3A_26, %dma_start3A_27] : memref<32x125x80xi32, #tpu.memory_space<hbm>> -> memref<1x125x80xi32, #tpu.memory_space<hbm>>
      %dma_start3A_29 = tpu.memref_squeeze %dma_start3A_28 : memref<1x125x80xi32, #tpu.memory_space<hbm>> -> memref<125x80xi32, #tpu.memory_space<hbm>>
      tpu.enqueue_dma source(%dma_start3A_29 : memref<125x80xi32, #tpu.memory_space<hbm>>) target(%arg8 : memref<125x80xi32, #tpu.memory_space<vmem>>) target_semaphore(%run_scoped3A_21 : memref<!tpu.dma_semaphore, #tpu.memory_space<semaphore_mem>>)
      %dma_wait3A_30 = arith.constant 0 : i32
      %dma_wait3A_31 = arith.constant 0 : i32
      %dma_wait3A_32 = tpu.memref_slice %arg4[%add3A, %dma_wait3A_30, %dma_wait3A_31] : memref<32x125x80xi32, #tpu.memory_space<hbm>> -> memref<1x125x80xi32, #tpu.memory_space<hbm>>
      %dma_wait3A_33 = tpu.memref_squeeze %dma_wait3A_32 : memref<1x125x80xi32, #tpu.memory_space<hbm>> -> memref<125x80xi32, #tpu.memory_space<hbm>>
      %dma_wait3A_34 = arith.constant 0 : i32
      %dma_wait3A_35 = arith.constant 0 : i32
      %dma_wait3A_36 = tpu.memref_slice %arg4[%add3A, %dma_wait3A_34, %dma_wait3A_35] : memref<32x125x80xi32, #tpu.memory_space<hbm>> -> memref<1x125x80xi32, #tpu.memory_space<hbm>>
      %dma_wait3A_37 = tpu.memref_squeeze %dma_wait3A_36 : memref<1x125x80xi32, #tpu.memory_space<hbm>> -> memref<125x80xi32, #tpu.memory_space<hbm>>
      tpu.wait_dma2 semaphore(%run_scoped3A_21 : memref<!tpu.dma_semaphore, #tpu.memory_space<semaphore_mem>>) src(%dma_wait3A_37 : memref<125x80xi32, #tpu.memory_space<hbm>>) dst(%arg8 : memref<125x80xi32, #tpu.memory_space<vmem>>)
      tpu.yield
    }) : () -> ()
    %mul3A_1 = arith.constant 640 : i32
    %mul3A_2 = arith.muli %arg1, %mul3A_1 : i32
    "tpu.region"() ({
      %run_scoped3A_21 = tpu.sem_alloc : memref<!tpu.dma_semaphore, #tpu.memory_space<semaphore_mem>>
      %dma_start3A_22 = arith.constant 0 : i32
      %dma_start3A_23 = tpu.memref_slice %arg11[%mul3A_2, %dma_start3A_22] : memref<10240x128xf32, #tpu.memory_space<vmem_shared>> -> memref<640x128xf32, #tpu.memory_space<vmem_shared>>
      tpu.enqueue_dma source(%arg5 : memref<640x128xf32, #tpu.memory_space<hbm>>) target(%dma_start3A_23 : memref<640x128xf32, #tpu.memory_space<vmem_shared>>) target_semaphore(%run_scoped3A_21 : memref<!tpu.dma_semaphore, #tpu.memory_space<semaphore_mem>>)
      %dma_wait3A_24 = arith.constant 0 : i32
      %dma_wait3A_25 = tpu.memref_slice %arg11[%mul3A_2, %dma_wait3A_24] : memref<10240x128xf32, #tpu.memory_space<vmem_shared>> -> memref<640x128xf32, #tpu.memory_space<vmem_shared>>
      tpu.wait_dma2 semaphore(%run_scoped3A_21 : memref<!tpu.dma_semaphore, #tpu.memory_space<semaphore_mem>>) src(%arg5 : memref<640x128xf32, #tpu.memory_space<hbm>>) dst(%dma_wait3A_25 : memref<640x128xf32, #tpu.memory_space<vmem_shared>>)
      tpu.yield
    }) : () -> ()
    %barrier3A = arith.constant 0 : index
    tpu.barrier barrier_id(%barrier3A)
    %dma_start3A = arith.constant 0 : i32
    %dma_start3A_3 = tpu.memref_slice %arg7[%dma_start3A] : memref<10000xi32, #tpu.memory_space<vmem>> -> memref<80xi32, #tpu.memory_space<vmem>>
    %dma_start3A_4 = arith.constant 0 : i32
    %dma_start3A_5 = arith.constant 0 : i32
    %dma_start3A_6 = tpu.memref_slice %arg2[%dma_start3A_4, %dma_start3A_5] : memref<10240x128xf32, #tpu.memory_space<hbm>> -> memref<10240x128xf32, #tpu.memory_space<hbm>>
    tpu.enqueue_indirect_dma source(%dma_start3A_6 : memref<10240x128xf32, #tpu.memory_space<hbm>>) target(%arg9 : memref<80x128xf32, #tpu.memory_space<vmem>>) offsets(%dma_start3A_3 : memref<80xi32, #tpu.memory_space<vmem>>) semaphore(%arg12 : memref<!tpu.dma_semaphore, #tpu.memory_space<semaphore_mem>>)
    %scan3A = arith.constant 0 : i32
    %scan3A_7 = arith.constant 0 : i32
    %scan3A_8 = arith.constant 62 : i32
    %scan3A_9 = arith.addi %scan3A_7, %scan3A_8 : i32
    %scan3A_10 = arith.constant 1 : i32
    scf.for %scan3A_21 = %scan3A_7 to %scan3A_9 step %scan3A_10  : i32 {
      %mul3A_22 = arith.constant 2 : i32
      %mul3A_23 = arith.muli %mul3A_22, %scan3A_21 : i32
      %add3A_24 = arith.constant 1 : i32
      %add3A_25 = arith.addi %mul3A_23, %add3A_24 : i32
      %mul3A_26 = arith.constant 80 : i32
      %mul3A_27 = arith.muli %add3A_25, %mul3A_26 : i32
      %dma_start3A_28 = tpu.memref_slice %arg7[%mul3A_27] : memref<10000xi32, #tpu.memory_space<vmem>> -> memref<80xi32, #tpu.memory_space<vmem>>
      %dma_start3A_29 = arith.constant 0 : i32
      %dma_start3A_30 = arith.constant 0 : i32
      %dma_start3A_31 = tpu.memref_slice %arg2[%dma_start3A_29, %dma_start3A_30] : memref<10240x128xf32, #tpu.memory_space<hbm>> -> memref<10240x128xf32, #tpu.memory_space<hbm>>
      tpu.enqueue_indirect_dma source(%dma_start3A_31 : memref<10240x128xf32, #tpu.memory_space<hbm>>) target(%arg10 : memref<80x128xf32, #tpu.memory_space<vmem>>) offsets(%dma_start3A_28 : memref<80xi32, #tpu.memory_space<vmem>>) semaphore(%arg13 : memref<!tpu.dma_semaphore, #tpu.memory_space<semaphore_mem>>)
      %mul3A_32 = arith.constant 80 : i32
      %mul3A_33 = arith.muli %mul3A_23, %mul3A_32 : i32
      %dma_wait3A_34 = tpu.memref_slice %arg7[%mul3A_33] : memref<10000xi32, #tpu.memory_space<vmem>> -> memref<80xi32, #tpu.memory_space<vmem>>
      %dma_wait3A_35 = arith.constant 0 : i32
      %dma_wait3A_36 = arith.constant 0 : i32
      %dma_wait3A_37 = tpu.memref_slice %arg2[%dma_wait3A_35, %dma_wait3A_36] : memref<10240x128xf32, #tpu.memory_space<hbm>> -> memref<10240x128xf32, #tpu.memory_space<hbm>>
      tpu.wait_indirect_dma semaphore(%arg12 : memref<!tpu.dma_semaphore, #tpu.memory_space<semaphore_mem>>) src(%dma_wait3A_37 : memref<10240x128xf32, #tpu.memory_space<hbm>>) dst(%arg9 : memref<80x128xf32, #tpu.memory_space<vmem>>)
      "tpu.region"() ({
        %run_scoped3A_56 = tpu.sem_alloc : memref<!tpu.dma_semaphore, #tpu.memory_space<semaphore_mem>>
        %dma_start3A_57 = arith.constant 0 : i32
        %dma_start3A_58 = tpu.memref_slice %arg8[%mul3A_23, %dma_start3A_57] : memref<125x80xi32, #tpu.memory_space<vmem>> -> memref<1x80xi32, #tpu.memory_space<vmem>>
        %dma_start3A_59 = tpu.memref_squeeze %dma_start3A_58 : memref<1x80xi32, #tpu.memory_space<vmem>> -> memref<80xi32, #tpu.memory_space<vmem>>
        %dma_start3A_60 = arith.constant 0 : i32
        %dma_start3A_61 = arith.constant 0 : i32
        %dma_start3A_62 = tpu.memref_slice %arg11[%dma_start3A_60, %dma_start3A_61] : memref<10240x128xf32, #tpu.memory_space<vmem_shared>> -> memref<10240x128xf32, #tpu.memory_space<vmem_shared>>
        tpu.enqueue_indirect_dma source(%arg9 : memref<80x128xf32, #tpu.memory_space<vmem>>) target(%dma_start3A_62 : memref<10240x128xf32, #tpu.memory_space<vmem_shared>>) offsets(%dma_start3A_59 : memref<80xi32, #tpu.memory_space<vmem>>) semaphore(%run_scoped3A_56 : memref<!tpu.dma_semaphore, #tpu.memory_space<semaphore_mem>>) {add = true}
        %dma_wait3A_63 = arith.constant 0 : i32
        %dma_wait3A_64 = tpu.memref_slice %arg8[%mul3A_23, %dma_wait3A_63] : memref<125x80xi32, #tpu.memory_space<vmem>> -> memref<1x80xi32, #tpu.memory_space<vmem>>
        %dma_wait3A_65 = tpu.memref_squeeze %dma_wait3A_64 : memref<1x80xi32, #tpu.memory_space<vmem>> -> memref<80xi32, #tpu.memory_space<vmem>>
        %dma_wait3A_66 = arith.constant 0 : i32
        %dma_wait3A_67 = arith.constant 0 : i32
        %dma_wait3A_68 = tpu.memref_slice %arg11[%dma_wait3A_66, %dma_wait3A_67] : memref<10240x128xf32, #tpu.memory_space<vmem_shared>> -> memref<10240x128xf32, #tpu.memory_space<vmem_shared>>
        tpu.wait_indirect_dma semaphore(%run_scoped3A_56 : memref<!tpu.dma_semaphore, #tpu.memory_space<semaphore_mem>>) src(%arg9 : memref<80x128xf32, #tpu.memory_space<vmem>>) dst(%dma_wait3A_68 : memref<10240x128xf32, #tpu.memory_space<vmem_shared>>)
        tpu.yield
      }) : () -> ()
      %add3A_38 = arith.constant 2 : i32
      %add3A_39 = arith.addi %mul3A_23, %add3A_38 : i32
      %mul3A_40 = arith.constant 80 : i32
      %mul3A_41 = arith.muli %add3A_39, %mul3A_40 : i32
      %dma_start3A_42 = tpu.memref_slice %arg7[%mul3A_41] : memref<10000xi32, #tpu.memory_space<vmem>> -> memref<80xi32, #tpu.memory_space<vmem>>
      %dma_start3A_43 = arith.constant 0 : i32
      %dma_start3A_44 = arith.constant 0 : i32
      %dma_start3A_45 = tpu.memref_slice %arg2[%dma_start3A_43, %dma_start3A_44] : memref<10240x128xf32, #tpu.memory_space<hbm>> -> memref<10240x128xf32, #tpu.memory_space<hbm>>
      tpu.enqueue_indirect_dma source(%dma_start3A_45 : memref<10240x128xf32, #tpu.memory_space<hbm>>) target(%arg9 : memref<80x128xf32, #tpu.memory_space<vmem>>) offsets(%dma_start3A_42 : memref<80xi32, #tpu.memory_space<vmem>>) semaphore(%arg12 : memref<!tpu.dma_semaphore, #tpu.memory_space<semaphore_mem>>)
      %add3A_46 = arith.constant 1 : i32
      %add3A_47 = arith.addi %mul3A_23, %add3A_46 : i32
      %mul3A_48 = arith.constant 80 : i32
      %mul3A_49 = arith.muli %add3A_47, %mul3A_48 : i32
      %dma_wait3A_50 = tpu.memref_slice %arg7[%mul3A_49] : memref<10000xi32, #tpu.memory_space<vmem>> -> memref<80xi32, #tpu.memory_space<vmem>>
      %dma_wait3A_51 = arith.constant 0 : i32
      %dma_wait3A_52 = arith.constant 0 : i32
      %dma_wait3A_53 = tpu.memref_slice %arg2[%dma_wait3A_51, %dma_wait3A_52] : memref<10240x128xf32, #tpu.memory_space<hbm>> -> memref<10240x128xf32, #tpu.memory_space<hbm>>
      tpu.wait_indirect_dma semaphore(%arg13 : memref<!tpu.dma_semaphore, #tpu.memory_space<semaphore_mem>>) src(%dma_wait3A_53 : memref<10240x128xf32, #tpu.memory_space<hbm>>) dst(%arg10 : memref<80x128xf32, #tpu.memory_space<vmem>>)
      %add3A_54 = arith.constant 1 : i32
      %add3A_55 = arith.addi %mul3A_23, %add3A_54 : i32
      "tpu.region"() ({
        %run_scoped3A_56 = tpu.sem_alloc : memref<!tpu.dma_semaphore, #tpu.memory_space<semaphore_mem>>
        %dma_start3A_57 = arith.constant 0 : i32
        %dma_start3A_58 = tpu.memref_slice %arg8[%add3A_55, %dma_start3A_57] : memref<125x80xi32, #tpu.memory_space<vmem>> -> memref<1x80xi32, #tpu.memory_space<vmem>>
        %dma_start3A_59 = tpu.memref_squeeze %dma_start3A_58 : memref<1x80xi32, #tpu.memory_space<vmem>> -> memref<80xi32, #tpu.memory_space<vmem>>
        %dma_start3A_60 = arith.constant 0 : i32
        %dma_start3A_61 = arith.constant 0 : i32
        %dma_start3A_62 = tpu.memref_slice %arg11[%dma_start3A_60, %dma_start3A_61] : memref<10240x128xf32, #tpu.memory_space<vmem_shared>> -> memref<10240x128xf32, #tpu.memory_space<vmem_shared>>
        tpu.enqueue_indirect_dma source(%arg10 : memref<80x128xf32, #tpu.memory_space<vmem>>) target(%dma_start3A_62 : memref<10240x128xf32, #tpu.memory_space<vmem_shared>>) offsets(%dma_start3A_59 : memref<80xi32, #tpu.memory_space<vmem>>) semaphore(%run_scoped3A_56 : memref<!tpu.dma_semaphore, #tpu.memory_space<semaphore_mem>>) {add = true}
        %dma_wait3A_63 = arith.constant 0 : i32
        %dma_wait3A_64 = tpu.memref_slice %arg8[%add3A_55, %dma_wait3A_63] : memref<125x80xi32, #tpu.memory_space<vmem>> -> memref<1x80xi32, #tpu.memory_space<vmem>>
        %dma_wait3A_65 = tpu.memref_squeeze %dma_wait3A_64 : memref<1x80xi32, #tpu.memory_space<vmem>> -> memref<80xi32, #tpu.memory_space<vmem>>
        %dma_wait3A_66 = arith.constant 0 : i32
        %dma_wait3A_67 = arith.constant 0 : i32
        %dma_wait3A_68 = tpu.memref_slice %arg11[%dma_wait3A_66, %dma_wait3A_67] : memref<10240x128xf32, #tpu.memory_space<vmem_shared>> -> memref<10240x128xf32, #tpu.memory_space<vmem_shared>>
        tpu.wait_indirect_dma semaphore(%run_scoped3A_56 : memref<!tpu.dma_semaphore, #tpu.memory_space<semaphore_mem>>) src(%arg10 : memref<80x128xf32, #tpu.memory_space<vmem>>) dst(%dma_wait3A_68 : memref<10240x128xf32, #tpu.memory_space<vmem_shared>>)
        tpu.yield
      }) : () -> ()
    }
    %scan3A_11 = arith.constant 62 : i32
    %dma_wait3A = arith.constant 9920 : i32
    %dma_wait3A_12 = tpu.memref_slice %arg7[%dma_wait3A] : memref<10000xi32, #tpu.memory_space<vmem>> -> memref<80xi32, #tpu.memory_space<vmem>>
    %dma_wait3A_13 = arith.constant 0 : i32
    %dma_wait3A_14 = arith.constant 0 : i32
    %dma_wait3A_15 = tpu.memref_slice %arg2[%dma_wait3A_13, %dma_wait3A_14] : memref<10240x128xf32, #tpu.memory_space<hbm>> -> memref<10240x128xf32, #tpu.memory_space<hbm>>
    tpu.wait_indirect_dma semaphore(%arg12 : memref<!tpu.dma_semaphore, #tpu.memory_space<semaphore_mem>>) src(%dma_wait3A_15 : memref<10240x128xf32, #tpu.memory_space<hbm>>) dst(%arg9 : memref<80x128xf32, #tpu.memory_space<vmem>>)
    %run_scoped3A = arith.constant 124 : i32
    "tpu.region"() ({
      %run_scoped3A_21 = tpu.sem_alloc : memref<!tpu.dma_semaphore, #tpu.memory_space<semaphore_mem>>
      %dma_start3A_22 = arith.constant 0 : i32
      %dma_start3A_23 = tpu.memref_slice %arg8[%run_scoped3A, %dma_start3A_22] : memref<125x80xi32, #tpu.memory_space<vmem>> -> memref<1x80xi32, #tpu.memory_space<vmem>>
      %dma_start3A_24 = tpu.memref_squeeze %dma_start3A_23 : memref<1x80xi32, #tpu.memory_space<vmem>> -> memref<80xi32, #tpu.memory_space<vmem>>
      %dma_start3A_25 = arith.constant 0 : i32
      %dma_start3A_26 = arith.constant 0 : i32
      %dma_start3A_27 = tpu.memref_slice %arg11[%dma_start3A_25, %dma_start3A_26] : memref<10240x128xf32, #tpu.memory_space<vmem_shared>> -> memref<10240x128xf32, #tpu.memory_space<vmem_shared>>
      tpu.enqueue_indirect_dma source(%arg9 : memref<80x128xf32, #tpu.memory_space<vmem>>) target(%dma_start3A_27 : memref<10240x128xf32, #tpu.memory_space<vmem_shared>>) offsets(%dma_start3A_24 : memref<80xi32, #tpu.memory_space<vmem>>) semaphore(%run_scoped3A_21 : memref<!tpu.dma_semaphore, #tpu.memory_space<semaphore_mem>>) {add = true}
      %dma_wait3A_28 = arith.constant 0 : i32
      %dma_wait3A_29 = tpu.memref_slice %arg8[%run_scoped3A, %dma_wait3A_28] : memref<125x80xi32, #tpu.memory_space<vmem>> -> memref<1x80xi32, #tpu.memory_space<vmem>>
      %dma_wait3A_30 = tpu.memref_squeeze %dma_wait3A_29 : memref<1x80xi32, #tpu.memory_space<vmem>> -> memref<80xi32, #tpu.memory_space<vmem>>
      %dma_wait3A_31 = arith.constant 0 : i32
      %dma_wait3A_32 = arith.constant 0 : i32
      %dma_wait3A_33 = tpu.memref_slice %arg11[%dma_wait3A_31, %dma_wait3A_32] : memref<10240x128xf32, #tpu.memory_space<vmem_shared>> -> memref<10240x128xf32, #tpu.memory_space<vmem_shared>>
      tpu.wait_indirect_dma semaphore(%run_scoped3A_21 : memref<!tpu.dma_semaphore, #tpu.memory_space<semaphore_mem>>) src(%arg9 : memref<80x128xf32, #tpu.memory_space<vmem>>) dst(%dma_wait3A_33 : memref<10240x128xf32, #tpu.memory_space<vmem_shared>>)
      tpu.yield
    }) : () -> ()
    %barrier3A_16 = arith.constant 0 : index
    tpu.barrier barrier_id(%barrier3A_16)
    %mul3A_17 = arith.constant 640 : i32
    %mul3A_18 = arith.muli %arg1, %mul3A_17 : i32
    %mul3A_19 = arith.constant 640 : i32
    %mul3A_20 = arith.muli %arg1, %mul3A_19 : i32
    "tpu.region"() ({
      %run_scoped3A_21 = tpu.sem_alloc : memref<!tpu.dma_semaphore, #tpu.memory_space<semaphore_mem>>
      %dma_start3A_22 = arith.constant 0 : i32
      %dma_start3A_23 = tpu.memref_slice %arg6[%arg0, %mul3A_20, %dma_start3A_22] : memref<2x10240x128xf32, #tpu.memory_space<hbm>> -> memref<1x640x128xf32, #tpu.memory_space<hbm>>
      %dma_start3A_24 = tpu.memref_squeeze %dma_start3A_23 : memref<1x640x128xf32, #tpu.memory_space<hbm>> -> memref<640x128xf32, #tpu.memory_space<hbm>>
      %dma_start3A_25 = arith.constant 0 : i32
      %dma_start3A_26 = tpu.memref_slice %arg11[%mul3A_18, %dma_start3A_25] : memref<10240x128xf32, #tpu.memory_space<vmem_shared>> -> memref<640x128xf32, #tpu.memory_space<vmem_shared>>
      tpu.enqueue_dma source(%dma_start3A_26 : memref<640x128xf32, #tpu.memory_space<vmem_shared>>) target(%dma_start3A_24 : memref<640x128xf32, #tpu.memory_space<hbm>>) target_semaphore(%run_scoped3A_21 : memref<!tpu.dma_semaphore, #tpu.memory_space<semaphore_mem>>)
      %dma_wait3A_27 = arith.constant 0 : i32
      %dma_wait3A_28 = tpu.memref_slice %arg6[%arg0, %mul3A_20, %dma_wait3A_27] : memref<2x10240x128xf32, #tpu.memory_space<hbm>> -> memref<1x640x128xf32, #tpu.memory_space<hbm>>
      %dma_wait3A_29 = tpu.memref_squeeze %dma_wait3A_28 : memref<1x640x128xf32, #tpu.memory_space<hbm>> -> memref<640x128xf32, #tpu.memory_space<hbm>>
      %dma_wait3A_30 = arith.constant 0 : i32
      %dma_wait3A_31 = tpu.memref_slice %arg11[%mul3A_18, %dma_wait3A_30] : memref<10240x128xf32, #tpu.memory_space<vmem_shared>> -> memref<640x128xf32, #tpu.memory_space<vmem_shared>>
      tpu.wait_dma2 semaphore(%run_scoped3A_21 : memref<!tpu.dma_semaphore, #tpu.memory_space<semaphore_mem>>) src(%dma_wait3A_31 : memref<640x128xf32, #tpu.memory_space<vmem_shared>>) dst(%dma_wait3A_29 : memref<640x128xf32, #tpu.memory_space<hbm>>)
      tpu.yield
    }) : () -> ()
    return
  }
}

#map = affine_map<(d0, d1) -> (0)>
#map1 = affine_map<(d0, d1) -> (0, 0)>
module attributes {stable_mosaic.version = 14 : i64} {
  func.func @_sc_type_counts(%arg0: i32, %arg1: i32, %arg2: memref<10240xi32, #tpu.memory_space<hbm>>, %arg3: memref<32x10000xi32, #tpu.memory_space<hbm>>, %arg4: memref<32x10000xi32, #tpu.memory_space<hbm>>, %arg5: memref<40960xf32, #tpu.memory_space<hbm>>, %arg6: memref<32x40960xf32, #tpu.memory_space<hbm>>, %arg7: memref<10240xi32, #tpu.memory_space<vmem>>, %arg8: memref<10000xi32, #tpu.memory_space<vmem>>, %arg9: memref<10000xi32, #tpu.memory_space<vmem>>, %arg10: memref<40960xf32, #tpu.memory_space<vmem>>) attributes {dimension_semantics = [#tpu.dimension_semantics<core_parallel>, #tpu.dimension_semantics<subcore_parallel>], iteration_bounds = array<i64: 2, 16>, scalar_prefetch = 0 : i64, scratch_operands = 4 : i64, tpu.core_type = #tpu.core_type<sc_vector_subcore>, window_params = [{transform_indices = #map}, {transform_indices = #map1}, {transform_indices = #map1}, {transform_indices = #map}, {transform_indices = #map1}]} {
    %mul3A = arith.constant 16 : i32
    %mul3A_0 = arith.muli %arg0, %mul3A : i32
    %add3A = arith.addi %mul3A_0, %arg1 : i32
    "tpu.region"() ({
      %run_scoped3A = tpu.sem_alloc : memref<!tpu.dma_semaphore, #tpu.memory_space<semaphore_mem>>
      tpu.enqueue_dma source(%arg2 : memref<10240xi32, #tpu.memory_space<hbm>>) target(%arg7 : memref<10240xi32, #tpu.memory_space<vmem>>) target_semaphore(%run_scoped3A : memref<!tpu.dma_semaphore, #tpu.memory_space<semaphore_mem>>)
      tpu.wait_dma2 semaphore(%run_scoped3A : memref<!tpu.dma_semaphore, #tpu.memory_space<semaphore_mem>>) src(%arg2 : memref<10240xi32, #tpu.memory_space<hbm>>) dst(%arg7 : memref<10240xi32, #tpu.memory_space<vmem>>)
      tpu.yield
    }) : () -> ()
    "tpu.region"() ({
      %run_scoped3A = tpu.sem_alloc : memref<!tpu.dma_semaphore, #tpu.memory_space<semaphore_mem>>
      %dma_start3A = arith.constant 0 : i32
      %dma_start3A_7 = tpu.memref_slice %arg3[%add3A, %dma_start3A] : memref<32x10000xi32, #tpu.memory_space<hbm>> -> memref<1x10000xi32, #tpu.memory_space<hbm>>
      %dma_start3A_8 = tpu.memref_squeeze %dma_start3A_7 : memref<1x10000xi32, #tpu.memory_space<hbm>> -> memref<10000xi32, #tpu.memory_space<hbm>>
      %dma_start3A_9 = arith.constant 0 : i32
      %dma_start3A_10 = tpu.memref_slice %arg3[%add3A, %dma_start3A_9] : memref<32x10000xi32, #tpu.memory_space<hbm>> -> memref<1x10000xi32, #tpu.memory_space<hbm>>
      %dma_start3A_11 = tpu.memref_squeeze %dma_start3A_10 : memref<1x10000xi32, #tpu.memory_space<hbm>> -> memref<10000xi32, #tpu.memory_space<hbm>>
      tpu.enqueue_dma source(%dma_start3A_11 : memref<10000xi32, #tpu.memory_space<hbm>>) target(%arg8 : memref<10000xi32, #tpu.memory_space<vmem>>) target_semaphore(%run_scoped3A : memref<!tpu.dma_semaphore, #tpu.memory_space<semaphore_mem>>)
      %dma_wait3A = arith.constant 0 : i32
      %dma_wait3A_12 = tpu.memref_slice %arg3[%add3A, %dma_wait3A] : memref<32x10000xi32, #tpu.memory_space<hbm>> -> memref<1x10000xi32, #tpu.memory_space<hbm>>
      %dma_wait3A_13 = tpu.memref_squeeze %dma_wait3A_12 : memref<1x10000xi32, #tpu.memory_space<hbm>> -> memref<10000xi32, #tpu.memory_space<hbm>>
      %dma_wait3A_14 = arith.constant 0 : i32
      %dma_wait3A_15 = tpu.memref_slice %arg3[%add3A, %dma_wait3A_14] : memref<32x10000xi32, #tpu.memory_space<hbm>> -> memref<1x10000xi32, #tpu.memory_space<hbm>>
      %dma_wait3A_16 = tpu.memref_squeeze %dma_wait3A_15 : memref<1x10000xi32, #tpu.memory_space<hbm>> -> memref<10000xi32, #tpu.memory_space<hbm>>
      tpu.wait_dma2 semaphore(%run_scoped3A : memref<!tpu.dma_semaphore, #tpu.memory_space<semaphore_mem>>) src(%dma_wait3A_16 : memref<10000xi32, #tpu.memory_space<hbm>>) dst(%arg8 : memref<10000xi32, #tpu.memory_space<vmem>>)
      tpu.yield
    }) : () -> ()
    "tpu.region"() ({
      %run_scoped3A = tpu.sem_alloc : memref<!tpu.dma_semaphore, #tpu.memory_space<semaphore_mem>>
      %dma_start3A = arith.constant 0 : i32
      %dma_start3A_7 = tpu.memref_slice %arg4[%add3A, %dma_start3A] : memref<32x10000xi32, #tpu.memory_space<hbm>> -> memref<1x10000xi32, #tpu.memory_space<hbm>>
      %dma_start3A_8 = tpu.memref_squeeze %dma_start3A_7 : memref<1x10000xi32, #tpu.memory_space<hbm>> -> memref<10000xi32, #tpu.memory_space<hbm>>
      %dma_start3A_9 = arith.constant 0 : i32
      %dma_start3A_10 = tpu.memref_slice %arg4[%add3A, %dma_start3A_9] : memref<32x10000xi32, #tpu.memory_space<hbm>> -> memref<1x10000xi32, #tpu.memory_space<hbm>>
      %dma_start3A_11 = tpu.memref_squeeze %dma_start3A_10 : memref<1x10000xi32, #tpu.memory_space<hbm>> -> memref<10000xi32, #tpu.memory_space<hbm>>
      tpu.enqueue_dma source(%dma_start3A_11 : memref<10000xi32, #tpu.memory_space<hbm>>) target(%arg9 : memref<10000xi32, #tpu.memory_space<vmem>>) target_semaphore(%run_scoped3A : memref<!tpu.dma_semaphore, #tpu.memory_space<semaphore_mem>>)
      %dma_wait3A = arith.constant 0 : i32
      %dma_wait3A_12 = tpu.memref_slice %arg4[%add3A, %dma_wait3A] : memref<32x10000xi32, #tpu.memory_space<hbm>> -> memref<1x10000xi32, #tpu.memory_space<hbm>>
      %dma_wait3A_13 = tpu.memref_squeeze %dma_wait3A_12 : memref<1x10000xi32, #tpu.memory_space<hbm>> -> memref<10000xi32, #tpu.memory_space<hbm>>
      %dma_wait3A_14 = arith.constant 0 : i32
      %dma_wait3A_15 = tpu.memref_slice %arg4[%add3A, %dma_wait3A_14] : memref<32x10000xi32, #tpu.memory_space<hbm>> -> memref<1x10000xi32, #tpu.memory_space<hbm>>
      %dma_wait3A_16 = tpu.memref_squeeze %dma_wait3A_15 : memref<1x10000xi32, #tpu.memory_space<hbm>> -> memref<10000xi32, #tpu.memory_space<hbm>>
      tpu.wait_dma2 semaphore(%run_scoped3A : memref<!tpu.dma_semaphore, #tpu.memory_space<semaphore_mem>>) src(%dma_wait3A_16 : memref<10000xi32, #tpu.memory_space<hbm>>) dst(%arg9 : memref<10000xi32, #tpu.memory_space<vmem>>)
      tpu.yield
    }) : () -> ()
    "tpu.region"() ({
      %run_scoped3A = tpu.sem_alloc : memref<!tpu.dma_semaphore, #tpu.memory_space<semaphore_mem>>
      tpu.enqueue_dma source(%arg5 : memref<40960xf32, #tpu.memory_space<hbm>>) target(%arg10 : memref<40960xf32, #tpu.memory_space<vmem>>) target_semaphore(%run_scoped3A : memref<!tpu.dma_semaphore, #tpu.memory_space<semaphore_mem>>)
      tpu.wait_dma2 semaphore(%run_scoped3A : memref<!tpu.dma_semaphore, #tpu.memory_space<semaphore_mem>>) src(%arg5 : memref<40960xf32, #tpu.memory_space<hbm>>) dst(%arg10 : memref<40960xf32, #tpu.memory_space<vmem>>)
      tpu.yield
    }) : () -> ()
    %broadcast_in_dim3A = arith.constant 1.000000e+00 : f32
    %broadcast_in_dim3A_1 = vector.broadcast %broadcast_in_dim3A : f32 to vector<16xf32>
    %scan3A = arith.constant 0 : i32
    %scan3A_2 = arith.constant 0 : i32
    %scan3A_3 = arith.constant 625 : i32
    %scan3A_4 = arith.addi %scan3A_2, %scan3A_3 : i32
    %scan3A_5 = arith.constant 1 : i32
    scf.for %scan3A_7 = %scan3A_2 to %scan3A_4 step %scan3A_5  : i32 {
      %mul3A_8 = arith.constant 16 : i32
      %mul3A_9 = arith.muli %scan3A_7, %mul3A_8 : i32
      %get3A = arith.index_cast %mul3A_9 : i32 to index
      %get3A_10 = tpu.vector_load %arg8[%get3A] {strides = array<i32>} : memref<10000xi32, #tpu.memory_space<vmem>>, vector<16xi32>,
      %mul3A_11 = arith.constant 16 : i32
      %mul3A_12 = arith.muli %scan3A_7, %mul3A_11 : i32
      %get3A_13 = arith.index_cast %mul3A_12 : i32 to index
      %get3A_14 = tpu.vector_load %arg9[%get3A_13] {strides = array<i32>} : memref<10000xi32, #tpu.memory_space<vmem>>, vector<16xi32>,
      %gather3A = tpu.vector_load_idx %arg7[%get3A_10] : memref<10240xi32, #tpu.memory_space<vmem>>[vector<16xi32>], vector<16xi32>,
      %mul3A_15 = arith.constant 4 : i32
      %mul3A_16 = vector.broadcast %mul3A_15 : i32 to vector<16xi32>
      %mul3A_17 = arith.muli %get3A_14, %mul3A_16 : vector<16xi32>
      %add3A_18 = arith.addi %mul3A_17, %gather3A : vector<16xi32>
      tpu.vector_store_idx %arg10[%add3A_18], %broadcast_in_dim3A_1 {add = true} : memref<40960xf32, #tpu.memory_space<vmem>>[vector<16xi32>], vector<16xf32>,
    }
    %scan3A_6 = arith.constant 625 : i32
    "tpu.region"() ({
      %run_scoped3A = tpu.sem_alloc : memref<!tpu.dma_semaphore, #tpu.memory_space<semaphore_mem>>
      %dma_start3A = arith.constant 0 : i32
      %dma_start3A_7 = tpu.memref_slice %arg6[%add3A, %dma_start3A] : memref<32x40960xf32, #tpu.memory_space<hbm>> -> memref<1x40960xf32, #tpu.memory_space<hbm>>
      %dma_start3A_8 = tpu.memref_squeeze %dma_start3A_7 : memref<1x40960xf32, #tpu.memory_space<hbm>> -> memref<40960xf32, #tpu.memory_space<hbm>>
      %dma_start3A_9 = arith.constant 0 : i32
      %dma_start3A_10 = tpu.memref_slice %arg6[%add3A, %dma_start3A_9] : memref<32x40960xf32, #tpu.memory_space<hbm>> -> memref<1x40960xf32, #tpu.memory_space<hbm>>
      %dma_start3A_11 = tpu.memref_squeeze %dma_start3A_10 : memref<1x40960xf32, #tpu.memory_space<hbm>> -> memref<40960xf32, #tpu.memory_space<hbm>>
      tpu.enqueue_dma source(%arg10 : memref<40960xf32, #tpu.memory_space<vmem>>) target(%dma_start3A_11 : memref<40960xf32, #tpu.memory_space<hbm>>) target_semaphore(%run_scoped3A : memref<!tpu.dma_semaphore, #tpu.memory_space<semaphore_mem>>)
      %dma_wait3A = arith.constant 0 : i32
      %dma_wait3A_12 = tpu.memref_slice %arg6[%add3A, %dma_wait3A] : memref<32x40960xf32, #tpu.memory_space<hbm>> -> memref<1x40960xf32, #tpu.memory_space<hbm>>
      %dma_wait3A_13 = tpu.memref_squeeze %dma_wait3A_12 : memref<1x40960xf32, #tpu.memory_space<hbm>> -> memref<40960xf32, #tpu.memory_space<hbm>>
      %dma_wait3A_14 = arith.constant 0 : i32
      %dma_wait3A_15 = tpu.memref_slice %arg6[%add3A, %dma_wait3A_14] : memref<32x40960xf32, #tpu.memory_space<hbm>> -> memref<1x40960xf32, #tpu.memory_space<hbm>>
      %dma_wait3A_16 = tpu.memref_squeeze %dma_wait3A_15 : memref<1x40960xf32, #tpu.memory_space<hbm>> -> memref<40960xf32, #tpu.memory_space<hbm>>
      tpu.wait_dma2 semaphore(%run_scoped3A : memref<!tpu.dma_semaphore, #tpu.memory_space<semaphore_mem>>) src(%arg10 : memref<40960xf32, #tpu.memory_space<vmem>>) dst(%dma_wait3A_16 : memref<40960xf32, #tpu.memory_space<hbm>>)
      tpu.yield
    }) : () -> ()
    return
  }
}

module attributes {stable_mosaic.version = 14 : i64} {
  func.func @_combine1_body(%arg0: i32, %arg1: memref<1024x1xi32, #tpu.memory_space<vmem>>, %arg2: memref<1024x4xf32, #tpu.memory_space<vmem>>, %arg3: memref<4x128xf32, #tpu.memory_space<vmem>>, %arg4: memref<128x128xf32, #tpu.memory_space<vmem>>, %arg5: memref<128x128xf32, #tpu.memory_space<vmem>>, %arg6: memref<1x128xf32, #tpu.memory_space<vmem>>, %arg7: memref<1x128xf32, #tpu.memory_space<vmem>>, %arg8: memref<1024x128xf32, #tpu.memory_space<vmem>>, %arg9: memref<1024x1xf32, #tpu.memory_space<vmem>>) attributes {dimension_semantics = [#tpu.dimension_semantics<arbitrary>], iteration_bounds = array<i64: 10>, scalar_prefetch = 0 : i64, scratch_operands = 0 : i64, tpu.core_type = #tpu.core_type<tc>, window_params = [{transform_indices = @transform_0, window_bounds = array<i64: 1024, 1>}, {transform_indices = @transform_1, window_bounds = array<i64: 1024, 4>}, {pipeline_mode = #tpu.pipeline_mode<synchronous>, transform_indices = @transform_2, window_bounds = array<i64: 4, 128>}, {pipeline_mode = #tpu.pipeline_mode<synchronous>, transform_indices = @transform_3, window_bounds = array<i64: 128, 128>}, {pipeline_mode = #tpu.pipeline_mode<synchronous>, transform_indices = @transform_4, window_bounds = array<i64: 128, 128>}, {pipeline_mode = #tpu.pipeline_mode<synchronous>, transform_indices = @transform_5, window_bounds = array<i64: 1, 128>}, {pipeline_mode = #tpu.pipeline_mode<synchronous>, transform_indices = @transform_6, window_bounds = array<i64: 1, 128>}, {transform_indices = @transform_7, window_bounds = array<i64: 1024, 128>}, {transform_indices = @transform_8, window_bounds = array<i64: 1024, 1>}]} {
    %get3A = arith.constant 0 : index
    %get3A_0 = arith.constant 0 : index
    %get3A_1 = vector.load %arg1[%get3A, %get3A_0] : memref<1024x1xi32, #tpu.memory_space<vmem>>, vector<1024x1xi32>
    %iota3A = tpu.iota {dimensions = array<i32: 1>} : vector<1024x4xi32>
    %eq3A = vector.broadcast %get3A_1 : vector<1024x1xi32> to vector<1024x4xi32>
    %eq3A_2 = arith.cmpi eq, %eq3A, %iota3A : vector<1024x4xi32>
    %convert_element_type3A = arith.extui %eq3A_2 : vector<1024x4xi1> to vector<1024x4xi32>
    %convert_element_type3A_3 = arith.sitofp %convert_element_type3A : vector<1024x4xi32> to vector<1024x4xf32>
    %get3A_4 = arith.constant 0 : index
    %get3A_5 = arith.constant 0 : index
    %get3A_6 = vector.load %arg2[%get3A_4, %get3A_5] : memref<1024x4xf32, #tpu.memory_space<vmem>>, vector<1024x4xf32>
    %reduce_sum3A = arith.constant dense<0.000000e+00> : vector<1024xf32>
    %reduce_sum3A_7 = vector.multi_reduction <add>, %get3A_6, %reduce_sum3A [1] : vector<1024x4xf32> to vector<1024xf32>
    %broadcast_in_dim3A = vector.shape_cast %reduce_sum3A_7 : vector<1024xf32> to vector<1024x1xf32>
    %max3A = arith.constant 1.000000e+00 : f32
    %max3A_8 = vector.broadcast %max3A : f32 to vector<1024x1xf32>
    %max3A_9 = arith.maximumf %broadcast_in_dim3A, %max3A_8 : vector<1024x1xf32>
    %div3A = arith.constant 1.000000e+00 : f32
    %div3A_10 = vector.broadcast %div3A : f32 to vector<1024x1xf32>
    %div3A_11 = arith.divf %div3A_10, %max3A_9 : vector<1024x1xf32>
    %get3A_12 = arith.constant 0 : index
    %get3A_13 = arith.constant 0 : index
    %get3A_14 = vector.load %arg3[%get3A_12, %get3A_13] : memref<4x128xf32, #tpu.memory_space<vmem>>, vector<4x128xf32>
    %get3A_15 = arith.constant 0 : index
    %get3A_16 = arith.constant 0 : index
    %get3A_17 = vector.load %arg4[%get3A_15, %get3A_16] : memref<128x128xf32, #tpu.memory_space<vmem>>, vector<128x128xf32>
    %dot_general3A = arith.constant dense<0.000000e+00> : vector<4x128xf32>
    %dot_general3A_18 = tpu.matmul %get3A_14, %get3A_17, %dot_general3A {dimension_numbers = #tpu.dot_dimension_numbers<[1], [0], [0], [1], [0, 0, 1, 1], [], []>, transpose_lhs_hint = false} : vector<4x128xf32>, vector<128x128xf32>, vector<4x128xf32> -> vector<4x128xf32>
    %get3A_19 = arith.constant 0 : index
    %get3A_20 = arith.constant 0 : index
    %get3A_21 = vector.load %arg3[%get3A_19, %get3A_20] : memref<4x128xf32, #tpu.memory_space<vmem>>, vector<4x128xf32>
    %get3A_22 = arith.constant 0 : index
    %get3A_23 = arith.constant 0 : index
    %get3A_24 = vector.load %arg5[%get3A_22, %get3A_23] : memref<128x128xf32, #tpu.memory_space<vmem>>, vector<128x128xf32>
    %dot_general3A_25 = arith.constant dense<0.000000e+00> : vector<4x128xf32>
    %dot_general3A_26 = tpu.matmul %get3A_21, %get3A_24, %dot_general3A_25 {dimension_numbers = #tpu.dot_dimension_numbers<[1], [0], [0], [1], [0, 0, 1, 1], [], []>, transpose_lhs_hint = false} : vector<4x128xf32>, vector<128x128xf32>, vector<4x128xf32> -> vector<4x128xf32>
    %dot_general3A_27 = arith.constant dense<0.000000e+00> : vector<1024x128xf32>
    %dot_general3A_28 = tpu.matmul %convert_element_type3A_3, %dot_general3A_18, %dot_general3A_27 {dimension_numbers = #tpu.dot_dimension_numbers<[1], [0], [0], [1], [0, 0, 1, 1], [], []>, transpose_lhs_hint = false} : vector<1024x4xf32>, vector<4x128xf32>, vector<1024x128xf32> -> vector<1024x128xf32>
    %dot_general3A_29 = arith.constant dense<0.000000e+00> : vector<1024x128xf32>
    %dot_general3A_30 = tpu.matmul %get3A_6, %dot_general3A_26, %dot_general3A_29 {dimension_numbers = #tpu.dot_dimension_numbers<[1], [0], [0], [1], [0, 0, 1, 1], [], []>, transpose_lhs_hint = false} : vector<1024x4xf32>, vector<4x128xf32>, vector<1024x128xf32> -> vector<1024x128xf32>
    %mul3A = vector.broadcast %div3A_11 : vector<1024x1xf32> to vector<1024x128xf32>
    %mul3A_31 = arith.mulf %dot_general3A_30, %mul3A : vector<1024x128xf32>
    %add3A = arith.addf %dot_general3A_28, %mul3A_31 : vector<1024x128xf32>
    %get3A_32 = arith.constant 0 : index
    %get3A_33 = arith.constant 0 : index
    %get3A_34 = vector.load %arg6[%get3A_32, %get3A_33] : memref<1x128xf32, #tpu.memory_space<vmem>>, vector<1x128xf32>
    %add3A_35 = vector.broadcast %get3A_34 : vector<1x128xf32> to vector<1024x128xf32>
    %add3A_36 = arith.addf %add3A, %add3A_35 : vector<1024x128xf32>
    %get3A_37 = arith.constant 0 : index
    %get3A_38 = arith.constant 0 : index
    %get3A_39 = vector.load %arg7[%get3A_37, %get3A_38] : memref<1x128xf32, #tpu.memory_space<vmem>>, vector<1x128xf32>
    %add3A_40 = vector.broadcast %get3A_39 : vector<1x128xf32> to vector<1024x128xf32>
    %add3A_41 = arith.addf %add3A_36, %add3A_40 : vector<1024x128xf32>
    %max3A_42 = arith.constant 0.000000e+00 : f32
    %max3A_43 = vector.broadcast %max3A_42 : f32 to vector<1024x128xf32>
    %max3A_44 = arith.maximumf %add3A_41, %max3A_43 : vector<1024x128xf32>
    %swap3A = arith.constant 0 : index
    %swap3A_45 = arith.constant 0 : index
    %swap3A_46 = vector.load %arg8[%swap3A, %swap3A_45] : memref<1024x128xf32, #tpu.memory_space<vmem>>, vector<1024x128xf32>
    tpu.vector_store %arg8[%swap3A, %swap3A_45], %max3A_44 {strides = array<i32>} : memref<1024x128xf32, #tpu.memory_space<vmem>>, vector<1024x128xf32>,
    %swap3A_47 = arith.constant 0 : index
    %swap3A_48 = arith.constant 0 : index
    %swap3A_49 = vector.load %arg9[%swap3A_47, %swap3A_48] : memref<1024x1xf32, #tpu.memory_space<vmem>>, vector<1024x1xf32>
    tpu.vector_store %arg9[%swap3A_47, %swap3A_48], %div3A_11 {strides = array<i32>} : memref<1024x1xf32, #tpu.memory_space<vmem>>, vector<1024x1xf32>,
    return
  }
  func.func @transform_0(%arg0: i32) -> (i32, i32) {
    %c0_i32 = arith.constant 0 : i32
    %c0_i32_0 = arith.constant 0 : i32
    return %arg0, %c0_i32 : i32, i32
  }
  func.func @transform_1(%arg0: i32) -> (i32, i32) {
    %c0_i32 = arith.constant 0 : i32
    %c0_i32_0 = arith.constant 0 : i32
    return %arg0, %c0_i32 : i32, i32
  }
  func.func @transform_2(%arg0: i32) -> (i32, i32) {
    %c0_i32 = arith.constant 0 : i32
    %c0_i32_0 = arith.constant 0 : i32
    %c0_i32_1 = arith.constant 0 : i32
    return %c0_i32, %c0_i32_0 : i32, i32
  }
  func.func @transform_3(%arg0: i32) -> (i32, i32) {
    %c0_i32 = arith.constant 0 : i32
    %c0_i32_0 = arith.constant 0 : i32
    %c0_i32_1 = arith.constant 0 : i32
    return %c0_i32, %c0_i32_0 : i32, i32
  }
  func.func @transform_4(%arg0: i32) -> (i32, i32) {
    %c0_i32 = arith.constant 0 : i32
    %c0_i32_0 = arith.constant 0 : i32
    %c0_i32_1 = arith.constant 0 : i32
    return %c0_i32, %c0_i32_0 : i32, i32
  }
  func.func @transform_5(%arg0: i32) -> (i32, i32) {
    %c0_i32 = arith.constant 0 : i32
    %c0_i32_0 = arith.constant 0 : i32
    %c0_i32_1 = arith.constant 0 : i32
    return %c0_i32, %c0_i32_0 : i32, i32
  }
  func.func @transform_6(%arg0: i32) -> (i32, i32) {
    %c0_i32 = arith.constant 0 : i32
    %c0_i32_0 = arith.constant 0 : i32
    %c0_i32_1 = arith.constant 0 : i32
    return %c0_i32, %c0_i32_0 : i32, i32
  }
  func.func @transform_7(%arg0: i32) -> (i32, i32) {
    %c0_i32 = arith.constant 0 : i32
    %c0_i32_0 = arith.constant 0 : i32
    return %arg0, %c0_i32 : i32, i32
  }
  func.func @transform_8(%arg0: i32) -> (i32, i32) {
    %c0_i32 = arith.constant 0 : i32
    %c0_i32_0 = arith.constant 0 : i32
    return %arg0, %c0_i32 : i32, i32
  }
}

module attributes {stable_mosaic.version = 14 : i64} {
  func.func @_combine_body(%arg0: i32, %arg1: memref<1024x128xf32, #tpu.memory_space<vmem>>, %arg2: memref<2x1024x128xf32, #tpu.memory_space<vmem>>, %arg3: memref<1024x1xf32, #tpu.memory_space<vmem>>, %arg4: memref<128x128xf32, #tpu.memory_space<vmem>>, %arg5: memref<128x128xf32, #tpu.memory_space<vmem>>, %arg6: memref<1x128xf32, #tpu.memory_space<vmem>>, %arg7: memref<1x128xf32, #tpu.memory_space<vmem>>, %arg8: memref<1024x128xf32, #tpu.memory_space<vmem>>) attributes {dimension_semantics = [#tpu.dimension_semantics<arbitrary>], iteration_bounds = array<i64: 10>, scalar_prefetch = 0 : i64, scratch_operands = 0 : i64, tpu.core_type = #tpu.core_type<tc>, window_params = [{transform_indices = @transform_0, window_bounds = array<i64: 1024, 128>}, {transform_indices = @transform_1, window_bounds = array<i64: 2, 1024, 128>}, {transform_indices = @transform_2, window_bounds = array<i64: 1024, 1>}, {pipeline_mode = #tpu.pipeline_mode<synchronous>, transform_indices = @transform_3, window_bounds = array<i64: 128, 128>}, {pipeline_mode = #tpu.pipeline_mode<synchronous>, transform_indices = @transform_4, window_bounds = array<i64: 128, 128>}, {pipeline_mode = #tpu.pipeline_mode<synchronous>, transform_indices = @transform_5, window_bounds = array<i64: 1, 128>}, {pipeline_mode = #tpu.pipeline_mode<synchronous>, transform_indices = @transform_6, window_bounds = array<i64: 1, 128>}, {transform_indices = @transform_7, window_bounds = array<i64: 1024, 128>}]} {
    %get3A = arith.constant 0 : index
    %get3A_0 = arith.constant 0 : index
    %get3A_1 = arith.constant 0 : index
    %get3A_2 = vector.load %arg2[%get3A, %get3A_0, %get3A_1] : memref<2x1024x128xf32, #tpu.memory_space<vmem>>, vector<1x1024x128xf32>
    %get3A_3 = vector.shape_cast %get3A_2 : vector<1x1024x128xf32> to vector<1024x128xf32>
    %get3A_4 = arith.constant 1 : index
    %get3A_5 = arith.constant 0 : index
    %get3A_6 = arith.constant 0 : index
    %get3A_7 = vector.load %arg2[%get3A_4, %get3A_5, %get3A_6] : memref<2x1024x128xf32, #tpu.memory_space<vmem>>, vector<1x1024x128xf32>
    %get3A_8 = vector.shape_cast %get3A_7 : vector<1x1024x128xf32> to vector<1024x128xf32>
    %add3A = arith.addf %get3A_3, %get3A_8 : vector<1024x128xf32>
    %get3A_9 = arith.constant 0 : index
    %get3A_10 = arith.constant 0 : index
    %get3A_11 = vector.load %arg3[%get3A_9, %get3A_10] : memref<1024x1xf32, #tpu.memory_space<vmem>>, vector<1024x1xf32>
    %mul3A = vector.broadcast %get3A_11 : vector<1024x1xf32> to vector<1024x128xf32>
    %mul3A_12 = arith.mulf %add3A, %mul3A : vector<1024x128xf32>
    %get3A_13 = arith.constant 0 : index
    %get3A_14 = arith.constant 0 : index
    %get3A_15 = vector.load %arg1[%get3A_13, %get3A_14] : memref<1024x128xf32, #tpu.memory_space<vmem>>, vector<1024x128xf32>
    %get3A_16 = arith.constant 0 : index
    %get3A_17 = arith.constant 0 : index
    %get3A_18 = vector.load %arg4[%get3A_16, %get3A_17] : memref<128x128xf32, #tpu.memory_space<vmem>>, vector<128x128xf32>
    %dot_general3A = arith.constant dense<0.000000e+00> : vector<1024x128xf32>
    %dot_general3A_19 = tpu.matmul %get3A_15, %get3A_18, %dot_general3A {dimension_numbers = #tpu.dot_dimension_numbers<[1], [0], [0], [1], [0, 0, 1, 1], [], []>, transpose_lhs_hint = false} : vector<1024x128xf32>, vector<128x128xf32>, vector<1024x128xf32> -> vector<1024x128xf32>
    %get3A_20 = arith.constant 0 : index
    %get3A_21 = arith.constant 0 : index
    %get3A_22 = vector.load %arg5[%get3A_20, %get3A_21] : memref<128x128xf32, #tpu.memory_space<vmem>>, vector<128x128xf32>
    %dot_general3A_23 = arith.constant dense<0.000000e+00> : vector<1024x128xf32>
    %dot_general3A_24 = tpu.matmul %mul3A_12, %get3A_22, %dot_general3A_23 {dimension_numbers = #tpu.dot_dimension_numbers<[1], [0], [0], [1], [0, 0, 1, 1], [], []>, transpose_lhs_hint = false} : vector<1024x128xf32>, vector<128x128xf32>, vector<1024x128xf32> -> vector<1024x128xf32>
    %add3A_25 = arith.addf %dot_general3A_19, %dot_general3A_24 : vector<1024x128xf32>
    %get3A_26 = arith.constant 0 : index
    %get3A_27 = arith.constant 0 : index
    %get3A_28 = vector.load %arg6[%get3A_26, %get3A_27] : memref<1x128xf32, #tpu.memory_space<vmem>>, vector<1x128xf32>
    %add3A_29 = vector.broadcast %get3A_28 : vector<1x128xf32> to vector<1024x128xf32>
    %add3A_30 = arith.addf %add3A_25, %add3A_29 : vector<1024x128xf32>
    %get3A_31 = arith.constant 0 : index
    %get3A_32 = arith.constant 0 : index
    %get3A_33 = vector.load %arg7[%get3A_31, %get3A_32] : memref<1x128xf32, #tpu.memory_space<vmem>>, vector<1x128xf32>
    %add3A_34 = vector.broadcast %get3A_33 : vector<1x128xf32> to vector<1024x128xf32>
    %add3A_35 = arith.addf %add3A_30, %add3A_34 : vector<1024x128xf32>
    %max3A = arith.constant 0.000000e+00 : f32
    %max3A_36 = vector.broadcast %max3A : f32 to vector<1024x128xf32>
    %max3A_37 = arith.maximumf %add3A_35, %max3A_36 : vector<1024x128xf32>
    %swap3A = arith.constant 0 : index
    %swap3A_38 = arith.constant 0 : index
    %swap3A_39 = vector.load %arg8[%swap3A, %swap3A_38] : memref<1024x128xf32, #tpu.memory_space<vmem>>, vector<1024x128xf32>
    tpu.vector_store %arg8[%swap3A, %swap3A_38], %max3A_37 {strides = array<i32>} : memref<1024x128xf32, #tpu.memory_space<vmem>>, vector<1024x128xf32>,
    return
  }
  func.func @transform_0(%arg0: i32) -> (i32, i32) {
    %c0_i32 = arith.constant 0 : i32
    %c0_i32_0 = arith.constant 0 : i32
    return %arg0, %c0_i32 : i32, i32
  }
  func.func @transform_1(%arg0: i32) -> (i32, i32, i32) {
    %c0_i32 = arith.constant 0 : i32
    %c0_i32_0 = arith.constant 0 : i32
    %c0_i32_1 = arith.constant 0 : i32
    return %c0_i32, %arg0, %c0_i32_0 : i32, i32, i32
  }
  func.func @transform_2(%arg0: i32) -> (i32, i32) {
    %c0_i32 = arith.constant 0 : i32
    %c0_i32_0 = arith.constant 0 : i32
    return %arg0, %c0_i32 : i32, i32
  }
  func.func @transform_3(%arg0: i32) -> (i32, i32) {
    %c0_i32 = arith.constant 0 : i32
    %c0_i32_0 = arith.constant 0 : i32
    %c0_i32_1 = arith.constant 0 : i32
    return %c0_i32, %c0_i32_0 : i32, i32
  }
  func.func @transform_4(%arg0: i32) -> (i32, i32) {
    %c0_i32 = arith.constant 0 : i32
    %c0_i32_0 = arith.constant 0 : i32
    %c0_i32_1 = arith.constant 0 : i32
    return %c0_i32, %c0_i32_0 : i32, i32
  }
  func.func @transform_5(%arg0: i32) -> (i32, i32) {
    %c0_i32 = arith.constant 0 : i32
    %c0_i32_0 = arith.constant 0 : i32
    %c0_i32_1 = arith.constant 0 : i32
    return %c0_i32, %c0_i32_0 : i32, i32
  }
  func.func @transform_6(%arg0: i32) -> (i32, i32) {
    %c0_i32 = arith.constant 0 : i32
    %c0_i32_0 = arith.constant 0 : i32
    %c0_i32_1 = arith.constant 0 : i32
    return %c0_i32, %c0_i32_0 : i32, i32
  }
  func.func @transform_7(%arg0: i32) -> (i32, i32) {
    %c0_i32 = arith.constant 0 : i32
    %c0_i32_0 = arith.constant 0 : i32
    return %arg0, %c0_i32 : i32, i32
  }
}

module attributes {stable_mosaic.version = 14 : i64} {
  func.func @_head_body(%arg0: i32, %arg1: memref<2048x128xf32, #tpu.memory_space<vmem>>, %arg2: memref<256x128xf32, #tpu.memory_space<vmem>>, %arg3: memref<1x128xf32, #tpu.memory_space<vmem>>, %arg4: memref<128x1xf32, #tpu.memory_space<vmem>>, %arg5: memref<1x1xf32, #tpu.memory_space<vmem>>, %arg6: memref<1024x1xf32, #tpu.memory_space<vmem>>) attributes {dimension_semantics = [#tpu.dimension_semantics<arbitrary>], iteration_bounds = array<i64: 1>, scalar_prefetch = 0 : i64, scratch_operands = 0 : i64, tpu.core_type = #tpu.core_type<tc>, window_params = [{pipeline_mode = #tpu.pipeline_mode<synchronous>, transform_indices = @transform_0, window_bounds = array<i64: 2048, 128>}, {pipeline_mode = #tpu.pipeline_mode<synchronous>, transform_indices = @transform_1, window_bounds = array<i64: 256, 128>}, {pipeline_mode = #tpu.pipeline_mode<synchronous>, transform_indices = @transform_2, window_bounds = array<i64: 1, 128>}, {pipeline_mode = #tpu.pipeline_mode<synchronous>, transform_indices = @transform_3, window_bounds = array<i64: 128, 1>}, {pipeline_mode = #tpu.pipeline_mode<synchronous>, transform_indices = @transform_4, window_bounds = array<i64: 1, 1>}, {pipeline_mode = #tpu.pipeline_mode<synchronous>, transform_indices = @transform_5, window_bounds = array<i64: 1024, 1>}]} {
    %get3A = arith.constant 0 : index
    %get3A_0 = arith.constant 0 : index
    %get3A_1 = vector.load %arg1[%get3A, %get3A_0] : memref<2048x128xf32, #tpu.memory_space<vmem>>, vector<1024x128xf32>
    %get3A_2 = arith.constant 1024 : index
    %get3A_3 = arith.constant 0 : index
    %get3A_4 = vector.load %arg1[%get3A_2, %get3A_3] : memref<2048x128xf32, #tpu.memory_space<vmem>>, vector<1024x128xf32>
    %get3A_5 = arith.constant 0 : index
    %get3A_6 = arith.constant 0 : index
    %get3A_7 = vector.load %arg2[%get3A_5, %get3A_6] : memref<256x128xf32, #tpu.memory_space<vmem>>, vector<128x128xf32>
    %dot_general3A = arith.constant dense<0.000000e+00> : vector<1024x128xf32>
    %dot_general3A_8 = tpu.matmul %get3A_1, %get3A_7, %dot_general3A {dimension_numbers = #tpu.dot_dimension_numbers<[1], [0], [0], [1], [0, 0, 1, 1], [], []>, transpose_lhs_hint = false} : vector<1024x128xf32>, vector<128x128xf32>, vector<1024x128xf32> -> vector<1024x128xf32>
    %get3A_9 = arith.constant 128 : index
    %get3A_10 = arith.constant 0 : index
    %get3A_11 = vector.load %arg2[%get3A_9, %get3A_10] : memref<256x128xf32, #tpu.memory_space<vmem>>, vector<128x128xf32>
    %dot_general3A_12 = arith.constant dense<0.000000e+00> : vector<1024x128xf32>
    %dot_general3A_13 = tpu.matmul %get3A_4, %get3A_11, %dot_general3A_12 {dimension_numbers = #tpu.dot_dimension_numbers<[1], [0], [0], [1], [0, 0, 1, 1], [], []>, transpose_lhs_hint = false} : vector<1024x128xf32>, vector<128x128xf32>, vector<1024x128xf32> -> vector<1024x128xf32>
    %add3A = arith.addf %dot_general3A_8, %dot_general3A_13 : vector<1024x128xf32>
    %get3A_14 = arith.constant 0 : index
    %get3A_15 = arith.constant 0 : index
    %get3A_16 = vector.load %arg3[%get3A_14, %get3A_15] : memref<1x128xf32, #tpu.memory_space<vmem>>, vector<1x128xf32>
    %add3A_17 = vector.broadcast %get3A_16 : vector<1x128xf32> to vector<1024x128xf32>
    %add3A_18 = arith.addf %add3A, %add3A_17 : vector<1024x128xf32>
    %max3A = arith.constant 0.000000e+00 : f32
    %max3A_19 = vector.broadcast %max3A : f32 to vector<1024x128xf32>
    %max3A_20 = arith.maximumf %add3A_18, %max3A_19 : vector<1024x128xf32>
    %get3A_21 = arith.constant 0 : index
    %get3A_22 = arith.constant 0 : index
    %get3A_23 = vector.load %arg4[%get3A_21, %get3A_22] : memref<128x1xf32, #tpu.memory_space<vmem>>, vector<128x1xf32>
    %dot_general3A_24 = arith.constant dense<0.000000e+00> : vector<1024x1xf32>
    %dot_general3A_25 = tpu.matmul %max3A_20, %get3A_23, %dot_general3A_24 {dimension_numbers = #tpu.dot_dimension_numbers<[1], [0], [0], [1], [0, 0, 1, 1], [], []>, transpose_lhs_hint = false} : vector<1024x128xf32>, vector<128x1xf32>, vector<1024x1xf32> -> vector<1024x1xf32>
    %get3A_26 = arith.constant 0 : index
    %get3A_27 = arith.constant 0 : index
    %get3A_28 = vector.load %arg5[%get3A_26, %get3A_27] : memref<1x1xf32, #tpu.memory_space<vmem>>, vector<1x1xf32>
    %add3A_29 = vector.broadcast %get3A_28 : vector<1x1xf32> to vector<1024x1xf32>
    %add3A_30 = arith.addf %dot_general3A_25, %add3A_29 : vector<1024x1xf32>
    %swap3A = arith.constant 0 : index
    %swap3A_31 = arith.constant 0 : index
    %swap3A_32 = vector.load %arg6[%swap3A, %swap3A_31] : memref<1024x1xf32, #tpu.memory_space<vmem>>, vector<1024x1xf32>
    tpu.vector_store %arg6[%swap3A, %swap3A_31], %add3A_30 {strides = array<i32>} : memref<1024x1xf32, #tpu.memory_space<vmem>>, vector<1024x1xf32>,
    return
  }
  func.func @transform_0(%arg0: i32) -> (i32, i32) {
    %c0_i32 = arith.constant 0 : i32
    %c0_i32_0 = arith.constant 0 : i32
    %c0_i32_1 = arith.constant 0 : i32
    return %c0_i32, %c0_i32_0 : i32, i32
  }
  func.func @transform_1(%arg0: i32) -> (i32, i32) {
    %c0_i32 = arith.constant 0 : i32
    %c0_i32_0 = arith.constant 0 : i32
    %c0_i32_1 = arith.constant 0 : i32
    return %c0_i32, %c0_i32_0 : i32, i32
  }
  func.func @transform_2(%arg0: i32) -> (i32, i32) {
    %c0_i32 = arith.constant 0 : i32
    %c0_i32_0 = arith.constant 0 : i32
    %c0_i32_1 = arith.constant 0 : i32
    return %c0_i32, %c0_i32_0 : i32, i32
  }
  func.func @transform_3(%arg0: i32) -> (i32, i32) {
    %c0_i32 = arith.constant 0 : i32
    %c0_i32_0 = arith.constant 0 : i32
    %c0_i32_1 = arith.constant 0 : i32
    return %c0_i32, %c0_i32_0 : i32, i32
  }
  func.func @transform_4(%arg0: i32) -> (i32, i32) {
    %c0_i32 = arith.constant 0 : i32
    %c0_i32_0 = arith.constant 0 : i32
    %c0_i32_1 = arith.constant 0 : i32
    return %c0_i32, %c0_i32_0 : i32, i32
  }
  func.func @transform_5(%arg0: i32) -> (i32, i32) {
    %c0_i32 = arith.constant 0 : i32
    %c0_i32_0 = arith.constant 0 : i32
    %c0_i32_1 = arith.constant 0 : i32
    return %c0_i32, %c0_i32_0 : i32, i32
  }
}

</mosaic_0001>

<sc_bundles>
// kernel: kernel.10.cloned.1.call-start
scs
__scs_entry_jumppad:
0x0: {  	(pc) =	sbr.rel $0x88, $3  }
0x1: {  	(tag) =	ssettag $0x0;
	lr =	simm.s32 $0x1  }
0x2: {  	[smem:$0x3F8D] =	sst lr;
	_ =	strace $0xD0000000  }
0x3: {  	_ = 	snop  }
0x4: {  	_ = 	snop  }
0x5: {  	_ = 	snop  }
0x6: {  	_ = 	snop  }
0x7: {  	_ = 	snop  }
__scs_overlays_trampoline_lowered:
0x8: {  	[smem:$0x3F9C] =	sst s0  }
0x9: {  	[smem:$0x3F9D] =	sst s1  }
0xa: {  	[smem:$0x3F9E] =	sst s2  }
0xb: {  	[smem:$0x3F9F] =	sst s3  }
0xc: {  	[smem:$0x3FA0] =	sst s4  }
0xd: {  	[smem:$0x3FA1] =	sst s5  }
0xe: {  	[smem:$0x3FA2] =	sst s6  }
0xf: {  	[smem:$0x3FA3] =	sst s7  }
0x10: {  	[smem:$0x3FA4] =	sst s8  }
0x11: {  	[smem:$0x3FA5] =	sst s9;
	s0 =	simm.s32 @!p0 $0x0  }
0x12: {  	s1 =	sld [smem:$0x3F8B];
	s0 =	simm.s32 @p0 $0x1  }
0x13: {  	[smem:$0x3FA6] =	sst s0;
	s0 =	simm.s32 @!p1 $0x0  }
0x14: {  	s2 =	sld [smem:$0x3F8A];
	s0 =	simm.s32 @p1 $0x1  }
0x15: {  	[smem:$0x3FA7] =	sst s0;
	s0 =	simm.s32 @!p2 $0x0  }
0x16: {  	s3 =	sld [smem:$0x3FDB];
	s0 =	simm.s32 @p2 $0x1  }
0x17: {  	s4 =	simm.s32 $0x1BF5;
	[smem:$0x3FA9] =	sst s0  }
0x18: {  	s0 =	sld [smem:$0x3F8C];
	_ =	swait.ge [sflag:s4], $0x0  }
0x19: {  	s7 =	sld [smem:$0x3F8D]  }
0x1a: {  	s8 =	sadd.s32 $0xFFFFE003, lr  }
0x1b: {  	s9 =	sadd.s32 $0xFFFFFEF7, lr;
	s5 =	simm.s32 $0xFFFFFFFF;
	p2 =	slt.u32 s8, $0xFFFFF086  }
0x1c: {  	p1 =	slt.u32 s9, $0xF7A;
	s5 =	simm.s32 @!p2 $0x0  }
0x1d: {  	s5 =	simm.s32 @p1 $0x1;
	p0 =	seq.s32 s7, s2  }
0x1e: {  	s7 =	smul.u32 @!p0 $0xF7A, s2;
	p2 =	seq.s32 @!p0 s5, $0x0  }
0x1f: {  	s9 =	smul.u32 $0xF7A, s1;
	s8 =	simm.s32 @!p0 $0x1BF5;
	p2 =	por !p2, p0  }
0x20: {  	[sflag:s8] =	ssyncset.s32 @!p0 $0xFFFFF086;
	s6 =	sadd.s32 @!p0 s3, s7;
	s7 =	simm.s32 @!p0 $0x108  }
0x21: {  	s3 =	sadd.s32 s3, s9;
	s6 =	sadd.s32 @!p0 $0x88, s6;
	s7 =	simm.s32 @p2 $0x1082  }
0x22: {  	[simem:s7], [sflag:s8] =	dma.local @!p0 [hbm:s6], $0xF7A  }
0x23: {  	s9 =	sor.u32 $0xD0000000, s2;
	s6 =	simm.s32 $0x108;
	_ =	swait.ge @!p0 [sflag:s8], $0x0  }
0x24: {  	s3 =	sadd.s32 $0x88, s3;
	s6 =	simm.s32 @!p1 $0x1082;
	[sflag:s4] =	ssyncset.s32 $0xFFFFF086  }
0x25: {  	[simem:s6], [sflag:s4] =	dma.local [hbm:s3], $0xF7A  }
0x26: {  	[smem:$0x3F8D] =	sst s1;
	(tag) =	ssettag s2;
	_ =	strace s9  }
0x27: {  	s1 =	sld [smem:$0x3F9D]  }
0x28: {  	s2 =	sld [smem:$0x3F9E]  }
0x29: {  	s4 =	sld [smem:$0x3FA0]  }
0x2a: {  	p0 =	seq.s32 s5, $0x0;
	s5 =	sld [smem:$0x3FA1]  }
0x2b: {  	s6 =	sld [smem:$0x3FA2]  }
0x2c: {  	s7 =	sld [smem:$0x3FA3]  }
0x2d: {  	s3 =	simm.s32 $0x108;
	s8 =	sld [smem:$0x3FA4]  }
0x2e: {  	s3 =	simm.s32 @!p0 $0x1082;
	s9 =	sld [smem:$0x3FA5]  }
0x2f: {  	lr =	sadd.s32 s0, s3;
	s0 =	sld [smem:$0x3F9C]  }
0x30: {  	s3 =	sld [smem:$0x3F9F]  }
0x31: {  	[smem:$0x3FA8] =	sst s10  }
0x32: {  	s10 =	sld [smem:$0x3FA6];
	_ =	sdelay $0x3  }
0x33: {  	p0 =	seq.s32 s10, $0x1;
	s10 =	sld [smem:$0x3FA8];
	_ =	sdelay $0x3  }
0x34: {  	[smem:$0x3FA8] =	sst s10  }
0x35: {  	s10 =	sld [smem:$0x3FA7];
	_ =	sdelay $0x3  }
0x36: {  	p1 =	seq.s32 s10, $0x1;
	s10 =	sld [smem:$0x3FA8];
	_ =	sdelay $0x3  }
0x37: {  	[smem:$0x3FA8] =	sst s10  }
0x38: {  	s10 =	sld [smem:$0x3FA9]  }
0x39: {  	_ = 	snop;
	(pc) =	sbr.ind lr, $3  }
0x3a: {  	_ = 	snop  }
0x3b: {  	_ = 	snop  }
0x3c: {  	p2 =	seq.s32 s10, $0x1;
	s10 =	sld [smem:$0x3FA8]  }
0x3d: {  	_ =	shalt  }
0x3e: {  	_ =	shalt  }
0x3f: {  	_ =	shalt  }
0x40: {  	_ =	shalt  }
0x41: {  	_ =	shalt  }
0x42: {  	_ =	shalt  }
0x43: {  	_ =	shalt  }
0x44: {  	_ =	shalt  }
0x45: {  	_ =	shalt  }
0x46: {  	_ =	shalt  }
0x47: {  	_ =	shalt  }
0x48: {  	_ =	shalt  }
0x49: {  	_ =	shalt  }
0x4a: {  	_ =	shalt  }
0x4b: {  	_ =	shalt  }
0x4c: {  	_ =	shalt  }
0x4d: {  	_ =	shalt  }
0x4e: {  	_ =	shalt  }
0x4f: {  	_ =	shalt  }
0x50: {  	_ =	shalt  }
0x51: {  	_ =	shalt  }
0x52: {  	_ =	shalt  }
0x53: {  	_ =	shalt  }
0x54: {  	_ =	shalt  }
0x55: {  	_ =	shalt  }
0x56: {  	_ =	shalt  }
0x57: {  	_ =	shalt  }
0x58: {  	_ =	shalt  }
0x59: {  	_ =	shalt  }
0x5a: {  	_ =	shalt  }
0x5b: {  	_ =	shalt  }
0x5c: {  	_ =	shalt  }
0x5d: {  	_ =	shalt  }
0x5e: {  	_ =	shalt  }
0x5f: {  	_ =	shalt  }
0x60: {  	_ =	shalt  }
0x61: {  	_ =	shalt  }
0x62: {  	_ =	shalt  }
0x63: {  	_ =	shalt  }
0x64: {  	_ =	shalt  }
0x65: {  	_ =	shalt  }
0x66: {  	_ =	shalt  }
0x67: {  	_ =	shalt  }
0x68: {  	_ =	shalt  }
0x69: {  	_ =	shalt  }
0x6a: {  	_ =	shalt  }
0x6b: {  	_ =	shalt  }
0x6c: {  	_ =	shalt  }
0x6d: {  	_ =	shalt  }
0x6e: {  	_ =	shalt  }
0x6f: {  	_ =	shalt  }
0x70: {  	_ =	shalt  }
0x71: {  	_ =	shalt  }
0x72: {  	_ =	shalt  }
0x73: {  	_ =	shalt  }
0x74: {  	_ =	shalt  }
0x75: {  	_ =	shalt  }
0x76: {  	_ =	shalt  }
0x77: {  	_ =	shalt  }
0x78: {  	_ =	shalt  }
0x79: {  	_ =	shalt  }
0x7a: {  	_ =	shalt  }
0x7b: {  	_ =	shalt  }
0x7c: {  	_ =	shalt  }
0x7d: {  	_ =	shalt  }
0x7e: {  	_ =	shalt  }
0x7f: {  	_ =	shalt  }
0x80: {  	_ =	shalt  }
0x81: {  	_ =	shalt  }
0x82: {  	_ =	shalt  }
0x83: {  	_ =	shalt  }
0x84: {  	_ =	shalt  }
0x85: {  	_ =	shalt  }
0x86: {  	_ =	shalt  }
0x87: {  	_ =	shalt  }
.Lfunc_end0:
.L_simem_size_0:
called_computation_lowered:
.L_overlay_start_0:
0x88: {  	s2 =	sld [smem:$0x3FD9]  }
0x89: {  	s3 =	sld [smem:$0x3FFE];
	_ =	sdelay $0x1  }
0x8a: {  	s1 =	srdreg.scid  }
0x8b: {  	s0 =	sand.u32 $0x1, s1  }
0x8c: {  	s16 =	sshll.u32 s0, $0xA;
	s2 =	sadd.s32 s3, s2  }
0x8d: {  	s2 =	sadd.s32 s2, s16  }
0x8e: {  	[smem:$0x3FB4] =	sst s2  }
0x8f: {  	_ = 	snop  }
0x90: {  	(tm) =	ssettm $0x1  }
0x91: {  	s17 =	sld [smem:$0x3FFB];
	_ =	sdelay $0x3  }
0x92: {  	_ =	strace s17  }
0x93: {  	s2 =	sld [smem:$0x3FFC];
	_ =	sdelay $0x3  }
0x94: {  	_ =	strace s2  }
0x95: {  	s2 =	sld [smem:$0x3FFD];
	_ =	sdelay $0x3  }
0x96: {  	_ =	strace s2  }
0x97: {  	_ =	strace $0x8FFFFFFF  }
0x98: {  	s18 =	sld [smem:$0x3FDB];
	_ =	sdelay $0x1  }
0x99: {  	s19 =	simm.s32 $_scs_section_size  }
0x9a: {  	s4 =	simm.s32 $_size__tile_overlayer_lowered;
	s5 =	simm.s32 $_tile_overlayer_lowered  }
0x9b: {  	s22 =	simm.s32 $0x1BFF;
	s21 =	sshll.u32 s5, $0x1;
	s2 =	sadd.s32 s19, s18  }
0x9c: {  	s6 =	simm.s32 $0x0;
	s20 =	sshll.u32 s4, $0x1;
	s4 =	sadd.s32 s21, s2  }
0x9d: {  	[timem:s6], [sflag:s22] =	dma.local [hbm:s4], s20  }
0x9e: {  	_ =	swait.ge [sflag:s22], s20  }
0x9f: {  	s3 =	ssub.s32 $0x0, s20;
	[sflag:s22] =	ssyncset.done $0x0  }
0xa0: {  	[sflag:s22] =	ssyncadd.s32 s3;
	_ =	sdelay $0x1  }
0xa1: {  	s23 =	simm.s32 $0x1B8B  }
0xa2: {  	_ =	swait.ge [sflag:s23], $0x1  }
0xa3: {  	[sflag:s23] =	ssyncset.done $0x0  }
0xa4: {  	s25 =	simm.s32 $0x1B8E;
	s24 =	sld [smem:$0x3FFE];
	[sflag:s23] =	ssyncadd.s32 $0xFFFFFFFF  }
0xa5: {  	s26 =	simm.s32 $execute0_lowered;
	[smem:$0x3FD2] =	sst s25  }
0xa6: {  	s4 =	sshll.u32 s26, $0x1;
	_ =	strace $0x80000046;
	[dreg:$0x1] =	wrdreg $0xFFFFFFFF  }
0xa7: {  	s28 =	simm.s32 $_size_execute0_lowered;
	s2 =	sadd.s32 s2, s4;
	[dreg:$0x0] =	wrdreg $0x0  }
0xa8: {  	s4 =	sshll.u32 s28, $0x1;
	[dreg:$0x2] =	wrdreg s2  }
0xa9: {  	[dreg:$0x3] =	wrdreg s4  }
0xaa: {  	[dreg:$0x4] =	wrdreg $0xC0  }
0xab: {  	_ =	task [dreg:s6], $0x5FFFF  }
0xac: {  	[dreg:$0x1] =	wrdreg $0xFFFFFFFF  }
0xad: {  	[dreg:$0x0] =	wrdreg $0x60  }
0xae: {  	[dreg:$0x2] =	wrdreg s24  }
0xaf: {  	[dreg:$0x3] =	wrdreg $0x9  }
0xb0: {  	_ =	task.clear_ibuf [dreg:s6], $0x4FFFF;
	_ =	strace $0x90000046  }
0xb1: {  	s29 =	simm.s32 $0x9;
	_ =	strace $0x80000048  }
0xb2: {  	_ =	swait.ge [sflag:s29], $0x1  }
0xb3: {  	[sflag:s29] =	ssyncadd.s32 $0xFFFFFFFF  }
0xb4: {  	_ =	strace $0x90000048  }
0xb5: {  	_ =	sfence  }
0xb6: {  	s30 =	sld [smem:$0x0];
	_ =	sdelay $0x2  }
0xb7: {  	s31 =	sshll.u32 s1, $0xD;
	s1 =	sshrl.u32 s1, $0x2  }
0xb8: {  	s3 =	sand.u32 $0x4000, s31;
	s1 =	sadd.s32 s1, s30  }
0xb9: {  	s0 =	sor.u32 s3, s0;
	s1 =	sshll.u32 s1, $0x11  }
0xba: {  	s0 =	sor.u32 s1, s0  }
0xbb: {  	s0 =	sadd.s32 $0x8F2B, s0  }
0xbc: {  	[sflag:s0] =	ssyncadd.remote.s32 $0x1  }
0xbd: {  	_ =	sfence.sel $0xFFFF  }
0xbe: {  	[dreg:$0x0] =	wrdreg $0xFFFFFFFF;
	(pc) =	sbr.abs _section_cstart, $3  }
0xbf: {  	[dreg:$0x1] =	wrdreg $0xFFFFFFFF  }
0xc0: {  	_ =	task.clear_ibuf [dreg:s6], $0x2FFFF;
	_ =	strace $0x9FFFFFFF  }
0xc1: {  	(tm) =	ssettm $0x7FFFFFFF  }
tec
execute0_lowered:
.L_overlay_start_1:
0x0: {  	(tag) =	ssettag $0x1  }
0x1: {  	s0 =	srdreg.scid  }
0x2: {  	s5 =	rddreg [dreg:$0x0];
	s10 =	simm.s32 $0x80;
	s11 =	simm.s32 $0x400  }
0x3: {  	s12 =	simm.s32 $0x2800;
	s13 =	simm.s32 $0x4F80;
	s4 =	sand.u32 $0x1, s0  }
0x4: {  	s14 =	simm.s32 $0x7700;
	s0 =	stileid.u32;
	s1 =	sshll.u32 s4, $0x4  }
0x5: {  	s15 =	simm.s32 $0x0;
	s6 =	sshll.u32 s0, $0x7;
	s2 =	sor.u32 s0, s1  }
0x6: {  	s30 =	ssub.s32 $0x2, s4;
	s4 =	sadd.s32 $0x17400, s5;
	s3 =	sshrl.u32 s2, $0x3  }
0x7: {  	s1 =	rddreg [dreg:$0x1];
	s6 =	sand.u32 $0x380, s6;
	s7 =	smul.u32 $0x13C00, s3  }
0x8: {  	s31 =	sshrl.u32 s30, $0x1;
	s2 =	simm.s32 $0x0;
	s8 =	smul.u32 $0x50000, s3  }
0x9: {  	[smem:$0x7FF] =	sst s2;
	s3 =	sadd.s32 $0x16E00, s5;
	s7 =	sor.u32 s6, s7  }
0xa: {  	_ =	strace $0x80000047;
	s6 =	sor.u32 s6, s8;
	s7 =	sshrl.u32 s7, $0x3  }
0xb: {  	s8 =	ssub.s32 s30, s31;
	s6 =	sshrl.u32 s6, $0x3;
	s7 =	sadd.s32 s7, s5  }
0xc: {  	s8 =	smax.u32 s8, $0x1;
	s9 =	sadd.s32 s6, s5;
	s5 =	sadd.s32 $0x3200, s7  }
0xd: {  	v0 =	vimm.f32 $1.000000000e+00;
	s6 =	sadd.s32 $0xD000, s7;
	s7 =	sadd.s32 $0x18800, s9;
	s9 =	simm.s32 $0x1  }
.LBB2_1:
0xe: {  	[tilespmem:s2], [sflag:$0x1] =	stream.linear.gather [hbm4b:s3+s2], $0x2800, $0x38;
	[tilespmem:$0x11700] =	vst v63  }
0xf: {  	_ =	swait.ge [sflag:s9], $0x2800  }
0x10: {  	[sflag:s9] =	ssyncset.done $0x0  }
0x11: {  	[sflag:s9] =	ssyncadd.s32 $0xFFFFD800  }
0x12: {  	[tilespmem:s12], [sflag:$0x1] =	stream.strided.gather [hbm4b:s5+s10], $0x2780, s11, s10, $0x38;
	[tilespmem:$0x11700] =	vst v63  }
0x13: {  	_ =	swait.ge [sflag:s9], $0x2780  }
0x14: {  	[sflag:s9] =	ssyncset.done $0x0  }
0x15: {  	[sflag:s9] =	ssyncadd.s32 $0xFFFFD880  }
0x16: {  	[tilespmem:s13], [sflag:$0x1] =	stream.strided.gather [hbm4b:s6+s10], $0x2780, s11, s10, $0x38;
	[tilespmem:$0x11700] =	vst v63  }
0x17: {  	_ =	swait.ge [sflag:s9], $0x2780  }
0x18: {  	[sflag:s9] =	ssyncset.done $0x0  }
0x19: {  	[sflag:s9] =	ssyncadd.s32 $0xFFFFD880  }
0x1a: {  	[tilespmem:s14], [sflag:$0x1] =	stream.linear.gather [hbm4b:s4+s2], $0xA000, $0x38;
	[tilespmem:$0x11700] =	vst v63  }
0x1b: {  	_ =	swait.ge [sflag:s9], $0xA000  }
0x1c: {  	[sflag:s9] =	ssyncset.done $0x0  }
0x1d: {  	s16 =	simm.s32 $0x0;
	[sflag:s9] =	ssyncadd.s32 $0xFFFF6000  }
.LBB2_2:
0x1e: {  	s17 =	sshra.s32 s16, $0x2  }
0x1f: {  	v1 =	vld [tilespmem:s17+$0x2800];
	_ =	sdelay $0x6  }
0x20: {  	v2 =	vld [tilespmem:s17+$0x4F80]  }
0x21: {  	v1 =	vld.idx.msk [tilespmem:v1+s2+$0x0], $0xffff;
	_ =	sdelay $0x3  }
0x22: {  	v2 =	vshll.u32 v2, $0x2  }
0x23: {  	p0 =	sne.s32 s16, $0x9C00;
	v1 =	vadd.s32 v1, v2  }
.Ltmp0:
0x24: {  	_ = 	snop;
	(pc) =	sbr.rel @p0 .LBB2_2-.Ltmp0, $2  }
0x25: {  	_ =	sdelay $0x2  }
0x26: {  	s16 =	sadd.s32 $0x40, s16;
	[tilespmem:v1+s14+$0x0] =	vst.idx.add.f32.msk $0xffff, v0  }
0x27: {  	s15 =	sadd.s32 $0x1, s15  }
0x28: {  	p0 =	sne.s32 s15, s8  }
.Ltmp1:
0x29: {  	_ = 	snop;
	(pc) =	sbr.rel @p0 .LBB2_1-.Ltmp1, $4  }
0x2a: {  	[hbm4b:s7+s10] =	stream.strided.scatter [tilespmem:s14], [sflag:$0x1], $0xA000, s11, s10, $0x38;
	[tilespmem:$0x11700] =	vst v63  }
0x2b: {  	_ =	swait.ge [sflag:s9], $0xA000  }
0x2c: {  	[sflag:s9] =	ssyncset.done $0x0  }
0x2d: {  	[sflag:s9] =	ssyncadd.s32 $0xFFFF6000  }
0x2e: {  	_ =	sfence.sel $0x180000  }
0x2f: {  	[bflag:$0x0] =	sbarrier.arrive $0xFFFF  }
0x30: {  	p0 =	sne.s32 s0, $0x0;
	_ =	strace $0x90000047  }
0x31: {  	s0 =	sadd.s32 @!p0 $0x100000, s1;
	[bflag:$0x2] =	sbarrier.arrive $0xFFFF  }
0x32: {  	[sflag:s0] =	ssyncadd.tile.s32 @!p0 $0x1;
	_ =	shalt  }
.Lfunc_end2:
_tile_overlayer_lowered:
.L_overlay_start_2:
0x33: {  	(tag) =	ssettag $0x2  }
0x34: {  	s0 =	rddreg [dreg:$0x0];
	s2 =	stileid.u32  }
0x35: {  	s1 =	rddreg [dreg:$0x1];
	p0 =	sne.s32 s2, $0x0  }
0x36: {  	s3 =	rddreg [dreg:$0x2];
	[bflag:$0x3] =	sbarrier.arrive $0xFFFF;
	s2 =	simm.s32 @!p0 $0x1C01  }
0x37: {  	[timem:s3], [sflag:s2] =	dma.local @!p0 [hbm:s0], s1  }
0x38: {  	s0 =	simm.s32 @!p0 $0x1  }
0x39: {  	_ =	swait.ge @!p0 [sflag:s0], s1  }
0x3a: {  	s1 =	ssub.s32 @!p0 $0x0, s1;
	[sflag:s0] =	ssyncset.done @!p0 $0x0  }
0x3b: {  	[sflag:s0] =	ssyncadd.s32 @!p0 s1  }
0x3c: {  	[bflag:$0x3] =	sbarrier.arrive $0xFFFF  }
0x3d: {  	_ =	shalt  }

// kernel: kernel.13.cloned.1.call-start
scs
__scs_entry_jumppad:
0x0: {  	(pc) =	sbr.rel $0x88, $3  }
0x1: {  	(tag) =	ssettag $0x0;
	lr =	simm.s32 $0x1  }
0x2: {  	[smem:$0x3F8D] =	sst lr;
	_ =	strace $0xD0000000  }
0x3: {  	_ = 	snop  }
0x4: {  	_ = 	snop  }
0x5: {  	_ = 	snop  }
0x6: {  	_ = 	snop  }
0x7: {  	_ = 	snop  }
__scs_overlays_trampoline_lowered:
0x8: {  	[smem:$0x3F9C] =	sst s0  }
0x9: {  	[smem:$0x3F9D] =	sst s1  }
0xa: {  	[smem:$0x3F9E] =	sst s2  }
0xb: {  	[smem:$0x3F9F] =	sst s3  }
0xc: {  	[smem:$0x3FA0] =	sst s4  }
0xd: {  	[smem:$0x3FA1] =	sst s5  }
0xe: {  	[smem:$0x3FA2] =	sst s6  }
0xf: {  	[smem:$0x3FA3] =	sst s7  }
0x10: {  	[smem:$0x3FA4] =	sst s8  }
0x11: {  	[smem:$0x3FA5] =	sst s9;
	s0 =	simm.s32 @!p0 $0x0  }
0x12: {  	s1 =	sld [smem:$0x3F8B];
	s0 =	simm.s32 @p0 $0x1  }
0x13: {  	[smem:$0x3FA6] =	sst s0;
	s0 =	simm.s32 @!p1 $0x0  }
0x14: {  	s2 =	sld [smem:$0x3F8A];
	s0 =	simm.s32 @p1 $0x1  }
0x15: {  	[smem:$0x3FA7] =	sst s0;
	s0 =	simm.s32 @!p2 $0x0  }
0x16: {  	s3 =	sld [smem:$0x3FDB];
	s0 =	simm.s32 @p2 $0x1  }
0x17: {  	s4 =	simm.s32 $0x1BF5;
	[smem:$0x3FA9] =	sst s0  }
0x18: {  	s0 =	sld [smem:$0x3F8C];
	_ =	swait.ge [sflag:s4], $0x0  }
0x19: {  	s7 =	sld [smem:$0x3F8D]  }
0x1a: {  	s8 =	sadd.s32 $0xFFFFE003, lr  }
0x1b: {  	s9 =	sadd.s32 $0xFFFFFEF7, lr;
	s5 =	simm.s32 $0xFFFFFFFF;
	p2 =	slt.u32 s8, $0xFFFFF086  }
0x1c: {  	p1 =	slt.u32 s9, $0xF7A;
	s5 =	simm.s32 @!p2 $0x0  }
0x1d: {  	s5 =	simm.s32 @p1 $0x1;
	p0 =	seq.s32 s7, s2  }
0x1e: {  	s7 =	smul.u32 @!p0 $0xF7A, s2;
	p2 =	seq.s32 @!p0 s5, $0x0  }
0x1f: {  	s9 =	smul.u32 $0xF7A, s1;
	s8 =	simm.s32 @!p0 $0x1BF5;
	p2 =	por !p2, p0  }
0x20: {  	[sflag:s8] =	ssyncset.s32 @!p0 $0xFFFFF086;
	s6 =	sadd.s32 @!p0 s3, s7;
	s7 =	simm.s32 @!p0 $0x108  }
0x21: {  	s3 =	sadd.s32 s3, s9;
	s6 =	sadd.s32 @!p0 $0x88, s6;
	s7 =	simm.s32 @p2 $0x1082  }
0x22: {  	[simem:s7], [sflag:s8] =	dma.local @!p0 [hbm:s6], $0xF7A  }
0x23: {  	s9 =	sor.u32 $0xD0000000, s2;
	s6 =	simm.s32 $0x108;
	_ =	swait.ge @!p0 [sflag:s8], $0x0  }
0x24: {  	s3 =	sadd.s32 $0x88, s3;
	s6 =	simm.s32 @!p1 $0x1082;
	[sflag:s4] =	ssyncset.s32 $0xFFFFF086  }
0x25: {  	[simem:s6], [sflag:s4] =	dma.local [hbm:s3], $0xF7A  }
0x26: {  	[smem:$0x3F8D] =	sst s1;
	(tag) =	ssettag s2;
	_ =	strace s9  }
0x27: {  	s1 =	sld [smem:$0x3F9D]  }
0x28: {  	s2 =	sld [smem:$0x3F9E]  }
0x29: {  	s4 =	sld [smem:$0x3FA0]  }
0x2a: {  	p0 =	seq.s32 s5, $0x0;
	s5 =	sld [smem:$0x3FA1]  }
0x2b: {  	s6 =	sld [smem:$0x3FA2]  }
0x2c: {  	s7 =	sld [smem:$0x3FA3]  }
0x2d: {  	s3 =	simm.s32 $0x108;
	s8 =	sld [smem:$0x3FA4]  }
0x2e: {  	s3 =	simm.s32 @!p0 $0x1082;
	s9 =	sld [smem:$0x3FA5]  }
0x2f: {  	lr =	sadd.s32 s0, s3;
	s0 =	sld [smem:$0x3F9C]  }
0x30: {  	s3 =	sld [smem:$0x3F9F]  }
0x31: {  	[smem:$0x3FA8] =	sst s10  }
0x32: {  	s10 =	sld [smem:$0x3FA6];
	_ =	sdelay $0x3  }
0x33: {  	p0 =	seq.s32 s10, $0x1;
	s10 =	sld [smem:$0x3FA8];
	_ =	sdelay $0x3  }
0x34: {  	[smem:$0x3FA8] =	sst s10  }
0x35: {  	s10 =	sld [smem:$0x3FA7];
	_ =	sdelay $0x3  }
0x36: {  	p1 =	seq.s32 s10, $0x1;
	s10 =	sld [smem:$0x3FA8];
	_ =	sdelay $0x3  }
0x37: {  	[smem:$0x3FA8] =	sst s10  }
0x38: {  	s10 =	sld [smem:$0x3FA9]  }
0x39: {  	_ = 	snop;
	(pc) =	sbr.ind lr, $3  }
0x3a: {  	_ = 	snop  }
0x3b: {  	_ = 	snop  }
0x3c: {  	p2 =	seq.s32 s10, $0x1;
	s10 =	sld [smem:$0x3FA8]  }
0x3d: {  	_ =	shalt  }
0x3e: {  	_ =	shalt  }
0x3f: {  	_ =	shalt  }
0x40: {  	_ =	shalt  }
0x41: {  	_ =	shalt  }
0x42: {  	_ =	shalt  }
0x43: {  	_ =	shalt  }
0x44: {  	_ =	shalt  }
0x45: {  	_ =	shalt  }
0x46: {  	_ =	shalt  }
0x47: {  	_ =	shalt  }
0x48: {  	_ =	shalt  }
0x49: {  	_ =	shalt  }
0x4a: {  	_ =	shalt  }
0x4b: {  	_ =	shalt  }
0x4c: {  	_ =	shalt  }
0x4d: {  	_ =	shalt  }
0x4e: {  	_ =	shalt  }
0x4f: {  	_ =	shalt  }
0x50: {  	_ =	shalt  }
0x51: {  	_ =	shalt  }
0x52: {  	_ =	shalt  }
0x53: {  	_ =	shalt  }
0x54: {  	_ =	shalt  }
0x55: {  	_ =	shalt  }
0x56: {  	_ =	shalt  }
0x57: {  	_ =	shalt  }
0x58: {  	_ =	shalt  }
0x59: {  	_ =	shalt  }
0x5a: {  	_ =	shalt  }
0x5b: {  	_ =	shalt  }
0x5c: {  	_ =	shalt  }
0x5d: {  	_ =	shalt  }
0x5e: {  	_ =	shalt  }
0x5f: {  	_ =	shalt  }
0x60: {  	_ =	shalt  }
0x61: {  	_ =	shalt  }
0x62: {  	_ =	shalt  }
0x63: {  	_ =	shalt  }
0x64: {  	_ =	shalt  }
0x65: {  	_ =	shalt  }
0x66: {  	_ =	shalt  }
0x67: {  	_ =	shalt  }
0x68: {  	_ =	shalt  }
0x69: {  	_ =	shalt  }
0x6a: {  	_ =	shalt  }
0x6b: {  	_ =	shalt  }
0x6c: {  	_ =	shalt  }
0x6d: {  	_ =	shalt  }
0x6e: {  	_ =	shalt  }
0x6f: {  	_ =	shalt  }
0x70: {  	_ =	shalt  }
0x71: {  	_ =	shalt  }
0x72: {  	_ =	shalt  }
0x73: {  	_ =	shalt  }
0x74: {  	_ =	shalt  }
0x75: {  	_ =	shalt  }
0x76: {  	_ =	shalt  }
0x77: {  	_ =	shalt  }
0x78: {  	_ =	shalt  }
0x79: {  	_ =	shalt  }
0x7a: {  	_ =	shalt  }
0x7b: {  	_ =	shalt  }
0x7c: {  	_ =	shalt  }
0x7d: {  	_ =	shalt  }
0x7e: {  	_ =	shalt  }
0x7f: {  	_ =	shalt  }
0x80: {  	_ =	shalt  }
0x81: {  	_ =	shalt  }
0x82: {  	_ =	shalt  }
0x83: {  	_ =	shalt  }
0x84: {  	_ =	shalt  }
0x85: {  	_ =	shalt  }
0x86: {  	_ =	shalt  }
0x87: {  	_ =	shalt  }
.Lfunc_end0:
.L_simem_size_0:
called_computation.1_lowered:
.L_overlay_start_0:
0x88: {  	s2 =	sld [smem:$0x3FD9]  }
0x89: {  	s3 =	sld [smem:$0x3FFE];
	_ =	sdelay $0x1  }
0x8a: {  	s1 =	srdreg.scid  }
0x8b: {  	s0 =	sand.u32 $0x1, s1  }
0x8c: {  	s16 =	sshll.u32 s0, $0xA;
	s2 =	sadd.s32 s3, s2  }
0x8d: {  	s2 =	sadd.s32 s2, s16  }
0x8e: {  	[smem:$0x3FB4] =	sst s2  }
0x8f: {  	_ = 	snop  }
0x90: {  	(tm) =	ssettm $0x1  }
0x91: {  	s17 =	sld [smem:$0x3FFB];
	_ =	sdelay $0x3  }
0x92: {  	_ =	strace s17  }
0x93: {  	s2 =	sld [smem:$0x3FFC];
	_ =	sdelay $0x3  }
0x94: {  	_ =	strace s2  }
0x95: {  	s2 =	sld [smem:$0x3FFD];
	_ =	sdelay $0x3  }
0x96: {  	_ =	strace s2  }
0x97: {  	_ =	strace $0x8FFFFFFF  }
0x98: {  	s18 =	sld [smem:$0x3FDB];
	_ =	sdelay $0x1  }
0x99: {  	s19 =	simm.s32 $_scs_section_size  }
0x9a: {  	s4 =	simm.s32 $_size__tile_overlayer_lowered;
	s5 =	simm.s32 $_tile_overlayer_lowered  }
0x9b: {  	s22 =	simm.s32 $0x1BFF;
	s21 =	sshll.u32 s5, $0x1;
	s2 =	sadd.s32 s19, s18  }
0x9c: {  	s6 =	simm.s32 $0x0;
	s20 =	sshll.u32 s4, $0x1;
	s4 =	sadd.s32 s21, s2  }
0x9d: {  	[timem:s6], [sflag:s22] =	dma.local [hbm:s4], s20  }
0x9e: {  	_ =	swait.ge [sflag:s22], s20  }
0x9f: {  	s3 =	ssub.s32 $0x0, s20;
	[sflag:s22] =	ssyncset.done $0x0  }
0xa0: {  	[sflag:s22] =	ssyncadd.s32 s3;
	_ =	sdelay $0x1  }
0xa1: {  	s23 =	simm.s32 $0x1B8B  }
0xa2: {  	_ =	swait.ge [sflag:s23], $0x1  }
0xa3: {  	[sflag:s23] =	ssyncset.done $0x0  }
0xa4: {  	s25 =	simm.s32 $0x1B8E;
	s24 =	sld [smem:$0x3FFE];
	[sflag:s23] =	ssyncadd.s32 $0xFFFFFFFF  }
0xa5: {  	s26 =	simm.s32 $execute0_lowered;
	[smem:$0x3FD2] =	sst s25  }
0xa6: {  	s4 =	sshll.u32 s26, $0x1;
	_ =	strace $0x80000049;
	[dreg:$0x1] =	wrdreg $0xFFFFFFFF  }
0xa7: {  	s28 =	simm.s32 $_size_execute0_lowered;
	s2 =	sadd.s32 s2, s4;
	[dreg:$0x0] =	wrdreg $0x0  }
0xa8: {  	s4 =	sshll.u32 s28, $0x1;
	[dreg:$0x2] =	wrdreg s2  }
0xa9: {  	[dreg:$0x3] =	wrdreg s4  }
0xaa: {  	[dreg:$0x4] =	wrdreg $0xC0  }
0xab: {  	_ =	task [dreg:s6], $0x5FFFF  }
0xac: {  	[dreg:$0x1] =	wrdreg $0xFFFFFFFF  }
0xad: {  	[dreg:$0x0] =	wrdreg $0x60  }
0xae: {  	[dreg:$0x2] =	wrdreg s24  }
0xaf: {  	[dreg:$0x3] =	wrdreg $0xB7800  }
0xb0: {  	[dreg:$0x4] =	wrdreg $0x9  }
0xb1: {  	_ =	task.clear_ibuf [dreg:s6], $0x5FFFF;
	_ =	strace $0x90000049  }
0xb2: {  	s29 =	simm.s32 $0x9;
	_ =	strace $0x8000004B  }
0xb3: {  	_ =	swait.ge [sflag:s29], $0x1  }
0xb4: {  	[sflag:s29] =	ssyncadd.s32 $0xFFFFFFFF  }
0xb5: {  	_ =	strace $0x9000004B  }
0xb6: {  	_ =	sfence  }
0xb7: {  	s30 =	sld [smem:$0x0];
	_ =	sdelay $0x2  }
0xb8: {  	s31 =	sshll.u32 s1, $0xD;
	s1 =	sshrl.u32 s1, $0x2  }
0xb9: {  	s3 =	sand.u32 $0x4000, s31;
	s1 =	sadd.s32 s1, s30  }
0xba: {  	s0 =	sor.u32 s3, s0;
	s1 =	sshll.u32 s1, $0x11  }
0xbb: {  	s0 =	sor.u32 s1, s0  }
0xbc: {  	s0 =	sadd.s32 $0x8F2B, s0  }
0xbd: {  	[sflag:s0] =	ssyncadd.remote.s32 $0x1  }
0xbe: {  	_ =	sfence.sel $0xFFFF  }
0xbf: {  	[dreg:$0x0] =	wrdreg $0xFFFFFFFF;
	(pc) =	sbr.abs _section_cstart, $3  }
0xc0: {  	[dreg:$0x1] =	wrdreg $0xFFFFFFFF  }
0xc1: {  	_ =	task.clear_ibuf [dreg:s6], $0x2FFFF;
	_ =	strace $0x9FFFFFFF  }
0xc2: {  	(tm) =	ssettm $0x7FFFFFFF  }
0xc3: {  	_ =	shalt  }
tec
execute0_lowered:
.L_overlay_start_1:
0x0: {  	(tag) =	ssettag $0x1  }
0x1: {  	s6 =	rddreg [dreg:$0x0]  }
0x2: {  	s0 =	srdreg.scid;
	s2 =	rddreg [dreg:$0x1]  }
0x3: {  	s3 =	simm.s32 $0x0;
	s12 =	simm.s32 $0x3;
	s13 =	simm.s32 $0x2780  }
0x4: {  	s16 =	simm.s32 $0x50;
	s17 =	simm.s32 $0x6780;
	s18 =	simm.s32 $0x8F80  }
0x5: {  	s19 =	simm.s32 $0x1;
	s20 =	simm.s32 $0x2;
	s21 =	simm.s32 $0x6580  }
0x6: {  	s22 =	simm.s32 $0x0;
	s5 =	sand.u32 $0x1, s0;
	s0 =	stileid.u32  }
0x7: {  	[smem:$0x7FF] =	sst s3;
	s1 =	sshll.u32 s5, $0x4;
	s9 =	smul.u32 $0x140000, s5  }
0x8: {  	s8 =	sshll.u32 s0, $0x7;
	s10 =	smul.u32 $0x14000, s0;
	s29 =	ssub.s32 $0x2, s5  }
0x9: {  	s11 =	smul.u32 $0x50000, s0;
	s5 =	sadd.s32 $0x35000, s6;
	s14 =	sshll.u32 s0, $0x6  }
0xa: {  	s7 =	sor.u32 s0, s1;
	s1 =	rddreg [dreg:$0x2];
	s8 =	sand.u32 $0x380, s8  }
0xb: {  	_ =	strace $0x8000004A;
	s30 =	sshrl.u32 s29, $0x1;
	s4 =	sshrl.u32 s7, $0x3  }
0xc: {  	s14 =	sor.u32 $0x1C03, s14;
	s7 =	sshll.u32 s7, $0xB;
	s4 =	smul.u32 $0x13C00, s4  }
0xd: {  	s9 =	sadd.s32 s10, s9;
	s10 =	ssub.s32 s29, s30;
	s31 =	sshrl.u32 s11, $0x2  }
0xe: {  	s11 =	simm.s32 $0x400;
	s7 =	sadd.s32 s7, s6;
	s8 =	sor.u32 s8, s4  }
0xf: {  	s9 =	sshrl.u32 s9, $0x3;
	s15 =	sadd.s32 s31, s2;
	s8 =	sshrl.u32 s8, $0x3  }
0x10: {  	s9 =	sadd.s32 s9, s6;
	s7 =	sadd.s32 $0x40800, s7;
	s8 =	sadd.s32 s8, s6  }
0x11: {  	s15 =	sshrl.u32 s15, $0x3;
	s4 =	sadd.s32 $0xD000, s6;
	s6 =	sadd.s32 $0x3200, s8  }
0x12: {  	s8 =	sadd.s32 $0x50800, s9;
	s9 =	smax.u32 s10, $0x1;
	s10 =	simm.s32 $0x80  }
.LBB2_1:
0x13: {  	[tilespmem:s3], [sflag:$0x3] =	stream.strided.gather [hbm4b:s6+s10], $0x2780, s11, s10, $0x38;
	[tilespmem:$0x1F780] =	vst v63  }
0x14: {  	_ =	swait.ge [sflag:s12], $0x2780  }
0x15: {  	[sflag:s12] =	ssyncset.done $0x0  }
0x16: {  	[sflag:s12] =	ssyncadd.s32 $0xFFFFD880  }
0x17: {  	[tilespmem:s13], [sflag:$0x3] =	stream.linear.gather [hbm4b:s7+s3], $0x3E80, $0x38;
	[tilespmem:$0x1F780] =	vst v63  }
0x18: {  	_ =	swait.ge [sflag:s12], $0x3E80  }
0x19: {  	[sflag:s12] =	ssyncset.done $0x0  }
0x1a: {  	[sflag:s12] =	ssyncadd.s32 $0xFFFFC180  }
0x1b: {  	[spmem:s15], [sflag:s14] =	dma.local [hbm:s5], $0x2800  }
0x1c: {  	_ =	swait.ge [sflag:s12], $0x2800  }
0x1d: {  	[sflag:s12] =	ssyncset.done $0x0  }
0x1e: {  	[sflag:s12] =	ssyncadd.s32 $0xFFFFD800  }
0x1f: {  	[bflag:$0x0] =	sbarrier.arrive $0xFFFF  }
0x20: {  	[tilespmem:s17], [sflag:$0x1] =	stream.indirect.gather [hbm4b:s4+s16], $0x80, s3, s16, $0xb8;
	[tilespmem:$0x1F780] =	vst v63  }
0x21: {  	s23 =	simm.s32 $0x50  }
0x22: {  	[tilespmem:s18], [sflag:$0x2] =	stream.indirect.gather [hbm4b:s4+s16], $0x80, s23, s16, $0xb8;
	[tilespmem:$0x1F780] =	vst v63  }
0x23: {  	_ =	swait.ge [sflag:s19], $0x2800  }
0x24: {  	[sflag:s19] =	ssyncset.done $0x0  }
0x25: {  	s29 =	simm.s32 $0x2780;
	[sflag:s19] =	ssyncadd.s32 $0xFFFFD800  }
0x26: {  	[spmem:s2] =	stream.indirect.scatter.add.f32 [tilespmem:s17], [sflag:$0x3], $0x80, s29, s16, $0xb8;
	[tilespmem:$0x1F780] =	vst v63  }
0x27: {  	_ =	swait.ge [sflag:s12], $0x2800  }
0x28: {  	[sflag:s12] =	ssyncset.done $0x0  }
0x29: {  	s30 =	simm.s32 $0xA0;
	[sflag:s12] =	ssyncadd.s32 $0xFFFFD800  }
0x2a: {  	[tilespmem:s17], [sflag:$0x1] =	stream.indirect.gather [hbm4b:s4+s16], $0x80, s30, s16, $0xb8;
	[tilespmem:$0x1F780] =	vst v63  }
0x2b: {  	_ =	swait.ge [sflag:s20], $0x2800  }
0x2c: {  	[sflag:s20] =	ssyncset.done $0x0  }
0x2d: {  	s31 =	simm.s32 $0x2800;
	[sflag:s20] =	ssyncadd.s32 $0xFFFFD800  }
0x2e: {  	[spmem:s2] =	stream.indirect.scatter.add.f32 [tilespmem:s18], [sflag:$0x3], $0x80, s31, s16, $0xb8;
	[tilespmem:$0x1F780] =	vst v63  }
0x2f: {  	s24 =	simm.s32 $0x400;
	_ =	swait.ge [sflag:s12], $0x2800  }
0x30: {  	s25 =	simm.s32 $0x800;
	s23 =	simm.s32 $0x140;
	[sflag:s12] =	ssyncset.done $0x0  }
.LBB2_2:
0x31: {  	p0 =	sne.s32 s25, $0xF400;
	s26 =	sadd.s32 $0xFFFFFFB0, s23;
	[sflag:s12] =	ssyncadd.s32 $0xFFFFD800  }
0x32: {  	[tilespmem:s18], [sflag:$0x2] =	stream.indirect.gather [hbm4b:s4+s16], $0x80, s26, s16, $0xb8;
	[tilespmem:$0x1F780] =	vst v63  }
0x33: {  	s26 =	smov.u32 s25;
	s25 =	sadd.s32 $0x400, s25;
	_ =	swait.ge [sflag:s19], $0x2800  }
0x34: {  	s28 =	sshra.s32 s24, $0x2;
	s24 =	smov.u32 s26;
	[sflag:s19] =	ssyncset.done $0x0  }
0x35: {  	s26 =	sadd.s32 $0x2780, s28;
	[sflag:s19] =	ssyncadd.s32 $0xFFFFD800  }
0x36: {  	[spmem:s2] =	stream.indirect.scatter.add.f32 [tilespmem:s17], [sflag:$0x3], $0x80, s26, s16, $0xb8;
	[tilespmem:$0x1F780] =	vst v63  }
0x37: {  	_ =	swait.ge [sflag:s12], $0x2800  }
0x38: {  	[sflag:s12] =	ssyncset.done $0x0  }
0x39: {  	[sflag:s12] =	ssyncadd.s32 $0xFFFFD800  }
0x3a: {  	[tilespmem:s17], [sflag:$0x1] =	stream.indirect.gather [hbm4b:s4+s16], $0x80, s23, s16, $0xb8;
	[tilespmem:$0x1F780] =	vst v63  }
0x3b: {  	_ =	swait.ge [sflag:s20], $0x2800  }
.Ltmp0:
0x3c: {  	[sflag:s20] =	ssyncset.done $0x0;
	(pc) =	sbr.rel @p0 .LBB2_2-.Ltmp0, $4  }
0x3d: {  	s26 =	sadd.s32 $0x2800, s28;
	[sflag:s20] =	ssyncadd.s32 $0xFFFFD800  }
0x3e: {  	[spmem:s2] =	stream.indirect.scatter.add.f32 [tilespmem:s18], [sflag:$0x3], $0x80, s26, s16, $0xb8;
	[tilespmem:$0x1F780] =	vst v63  }
0x3f: {  	_ =	swait.ge [sflag:s12], $0x2800  }
0x40: {  	s23 =	sadd.s32 $0xA0, s23;
	[sflag:s12] =	ssyncset.done $0x0  }
0x41: {  	s25 =	sadd.s32 $0xFFFFFFB0, s23;
	[sflag:s12] =	ssyncadd.s32 $0xFFFFD800  }
0x42: {  	[tilespmem:s18], [sflag:$0x2] =	stream.indirect.gather [hbm4b:s4+s16], $0x80, s25, s16, $0xb8;
	[tilespmem:$0x1F780] =	vst v63  }
0x43: {  	_ =	swait.ge [sflag:s19], $0x2800  }
0x44: {  	s24 =	sshra.s32 s24, $0x2;
	[sflag:s19] =	ssyncset.done $0x0  }
0x45: {  	s30 =	sadd.s32 $0x2780, s24;
	[sflag:s19] =	ssyncadd.s32 $0xFFFFD800  }
0x46: {  	[spmem:s2] =	stream.indirect.scatter.add.f32 [tilespmem:s17], [sflag:$0x3], $0x80, s30, s16, $0xb8;
	[tilespmem:$0x1F780] =	vst v63  }
0x47: {  	_ =	swait.ge [sflag:s12], $0x2800  }
0x48: {  	[sflag:s12] =	ssyncset.done $0x0  }
0x49: {  	[sflag:s12] =	ssyncadd.s32 $0xFFFFD800  }
0x4a: {  	[tilespmem:s17], [sflag:$0x1] =	stream.indirect.gather [hbm4b:s4+s16], $0x80, s23, s16, $0xb8;
	[tilespmem:$0x1F780] =	vst v63  }
0x4b: {  	_ =	swait.ge [sflag:s20], $0x2800  }
0x4c: {  	[sflag:s20] =	ssyncset.done $0x0  }
0x4d: {  	s31 =	sadd.s32 $0x2800, s24;
	[sflag:s20] =	ssyncadd.s32 $0xFFFFD800  }
0x4e: {  	[spmem:s2] =	stream.indirect.scatter.add.f32 [tilespmem:s18], [sflag:$0x3], $0x80, s31, s16, $0xb8;
	[tilespmem:$0x1F780] =	vst v63  }
0x4f: {  	_ =	swait.ge [sflag:s12], $0x2800  }
0x50: {  	[sflag:s12] =	ssyncset.done $0x0  }
0x51: {  	[sflag:s12] =	ssyncadd.s32 $0xFFFFD800  }
0x52: {  	_ =	swait.ge [sflag:s19], $0x2800  }
0x53: {  	[sflag:s19] =	ssyncset.done $0x0  }
0x54: {  	[sflag:s19] =	ssyncadd.s32 $0xFFFFD800  }
0x55: {  	[spmem:s2] =	stream.indirect.scatter.add.f32 [tilespmem:s17], [sflag:$0x3], $0x80, s21, s16, $0xb8;
	[tilespmem:$0x1F780] =	vst v63  }
0x56: {  	_ =	swait.ge [sflag:s12], $0x2800  }
0x57: {  	s22 =	sadd.s32 $0x1, s22;
	[sflag:s12] =	ssyncset.done $0x0  }
0x58: {  	p0 =	sne.s32 s22, s9;
	[sflag:s12] =	ssyncadd.s32 $0xFFFFD800  }
.Ltmp1:
0x59: {  	[bflag:$0x0] =	sbarrier.arrive $0xFFFF;
	(pc) =	sbr.rel @p0 .LBB2_1-.Ltmp1, $4  }
0x5a: {  	[hbm:s8], [sflag:s14] =	dma.local [spmem:s15], $0x2800  }
0x5b: {  	_ =	swait.ge [sflag:s12], $0x2800  }
0x5c: {  	[sflag:s12] =	ssyncset.done $0x0  }
0x5d: {  	[sflag:s12] =	ssyncadd.s32 $0xFFFFD800  }
0x5e: {  	_ =	sfence.sel $0x180000  }
0x5f: {  	[bflag:$0x0] =	sbarrier.arrive $0xFFFF  }
0x60: {  	p0 =	sne.s32 s0, $0x0;
	_ =	strace $0x9000004A  }
0x61: {  	s0 =	sadd.s32 @!p0 $0x100000, s1;
	[bflag:$0x2] =	sbarrier.arrive $0xFFFF  }
0x62: {  	[sflag:s0] =	ssyncadd.tile.s32 @!p0 $0x1;
	_ =	shalt  }
.Lfunc_end2:
_tile_overlayer_lowered:
.L_overlay_start_2:
0x63: {  	(tag) =	ssettag $0x2  }
0x64: {  	s0 =	rddreg [dreg:$0x0];
	s2 =	stileid.u32  }
0x65: {  	s1 =	rddreg [dreg:$0x1];
	p0 =	sne.s32 s2, $0x0  }
0x66: {  	s3 =	rddreg [dreg:$0x2];
	[bflag:$0x3] =	sbarrier.arrive $0xFFFF;
	s2 =	simm.s32 @!p0 $0x1C03  }
0x67: {  	[timem:s3], [sflag:s2] =	dma.local @!p0 [hbm:s0], s1  }
0x68: {  	s0 =	simm.s32 @!p0 $0x3  }
0x69: {  	_ =	swait.ge @!p0 [sflag:s0], s1  }
0x6a: {  	s1 =	ssub.s32 @!p0 $0x0, s1;
	[sflag:s0] =	ssyncset.done @!p0 $0x0  }
0x6b: {  	[sflag:s0] =	ssyncadd.s32 @!p0 s1  }
0x6c: {  	[bflag:$0x3] =	sbarrier.arrive $0xFFFF  }
0x6d: {  	_ =	shalt  }

// kernel: kernel.16.cloned.1.call-start
scs
__scs_entry_jumppad:
0x0: {  	(pc) =	sbr.rel $0x88, $3  }
0x1: {  	(tag) =	ssettag $0x0;
	lr =	simm.s32 $0x1  }
0x2: {  	[smem:$0x3F8D] =	sst lr;
	_ =	strace $0xD0000000  }
0x3: {  	_ = 	snop  }
0x4: {  	_ = 	snop  }
0x5: {  	_ = 	snop  }
0x6: {  	_ = 	snop  }
0x7: {  	_ = 	snop  }
__scs_overlays_trampoline_lowered:
0x8: {  	[smem:$0x3F9C] =	sst s0  }
0x9: {  	[smem:$0x3F9D] =	sst s1  }
0xa: {  	[smem:$0x3F9E] =	sst s2  }
0xb: {  	[smem:$0x3F9F] =	sst s3  }
0xc: {  	[smem:$0x3FA0] =	sst s4  }
0xd: {  	[smem:$0x3FA1] =	sst s5  }
0xe: {  	[smem:$0x3FA2] =	sst s6  }
0xf: {  	[smem:$0x3FA3] =	sst s7  }
0x10: {  	[smem:$0x3FA4] =	sst s8  }
0x11: {  	[smem:$0x3FA5] =	sst s9;
	s0 =	simm.s32 @!p0 $0x0  }
0x12: {  	s1 =	sld [smem:$0x3F8B];
	s0 =	simm.s32 @p0 $0x1  }
0x13: {  	[smem:$0x3FA6] =	sst s0;
	s0 =	simm.s32 @!p1 $0x0  }
0x14: {  	s2 =	sld [smem:$0x3F8A];
	s0 =	simm.s32 @p1 $0x1  }
0x15: {  	[smem:$0x3FA7] =	sst s0;
	s0 =	simm.s32 @!p2 $0x0  }
0x16: {  	s3 =	sld [smem:$0x3FDB];
	s0 =	simm.s32 @p2 $0x1  }
0x17: {  	s4 =	simm.s32 $0x1BF5;
	[smem:$0x3FA9] =	sst s0  }
0x18: {  	s0 =	sld [smem:$0x3F8C];
	_ =	swait.ge [sflag:s4], $0x0  }
0x19: {  	s7 =	sld [smem:$0x3F8D]  }
0x1a: {  	s8 =	sadd.s32 $0xFFFFE003, lr  }
0x1b: {  	s9 =	sadd.s32 $0xFFFFFEF7, lr;
	s5 =	simm.s32 $0xFFFFFFFF;
	p2 =	slt.u32 s8, $0xFFFFF086  }
0x1c: {  	p1 =	slt.u32 s9, $0xF7A;
	s5 =	simm.s32 @!p2 $0x0  }
0x1d: {  	s5 =	simm.s32 @p1 $0x1;
	p0 =	seq.s32 s7, s2  }
0x1e: {  	s7 =	smul.u32 @!p0 $0xF7A, s2;
	p2 =	seq.s32 @!p0 s5, $0x0  }
0x1f: {  	s9 =	smul.u32 $0xF7A, s1;
	s8 =	simm.s32 @!p0 $0x1BF5;
	p2 =	por !p2, p0  }
0x20: {  	[sflag:s8] =	ssyncset.s32 @!p0 $0xFFFFF086;
	s6 =	sadd.s32 @!p0 s3, s7;
	s7 =	simm.s32 @!p0 $0x108  }
0x21: {  	s3 =	sadd.s32 s3, s9;
	s6 =	sadd.s32 @!p0 $0x88, s6;
	s7 =	simm.s32 @p2 $0x1082  }
0x22: {  	[simem:s7], [sflag:s8] =	dma.local @!p0 [hbm:s6], $0xF7A  }
0x23: {  	s9 =	sor.u32 $0xD0000000, s2;
	s6 =	simm.s32 $0x108;
	_ =	swait.ge @!p0 [sflag:s8], $0x0  }
0x24: {  	s3 =	sadd.s32 $0x88, s3;
	s6 =	simm.s32 @!p1 $0x1082;
	[sflag:s4] =	ssyncset.s32 $0xFFFFF086  }
0x25: {  	[simem:s6], [sflag:s4] =	dma.local [hbm:s3], $0xF7A  }
0x26: {  	[smem:$0x3F8D] =	sst s1;
	(tag) =	ssettag s2;
	_ =	strace s9  }
0x27: {  	s1 =	sld [smem:$0x3F9D]  }
0x28: {  	s2 =	sld [smem:$0x3F9E]  }
0x29: {  	s4 =	sld [smem:$0x3FA0]  }
0x2a: {  	p0 =	seq.s32 s5, $0x0;
	s5 =	sld [smem:$0x3FA1]  }
0x2b: {  	s6 =	sld [smem:$0x3FA2]  }
0x2c: {  	s7 =	sld [smem:$0x3FA3]  }
0x2d: {  	s3 =	simm.s32 $0x108;
	s8 =	sld [smem:$0x3FA4]  }
0x2e: {  	s3 =	simm.s32 @!p0 $0x1082;
	s9 =	sld [smem:$0x3FA5]  }
0x2f: {  	lr =	sadd.s32 s0, s3;
	s0 =	sld [smem:$0x3F9C]  }
0x30: {  	s3 =	sld [smem:$0x3F9F]  }
0x31: {  	[smem:$0x3FA8] =	sst s10  }
0x32: {  	s10 =	sld [smem:$0x3FA6];
	_ =	sdelay $0x3  }
0x33: {  	p0 =	seq.s32 s10, $0x1;
	s10 =	sld [smem:$0x3FA8];
	_ =	sdelay $0x3  }
0x34: {  	[smem:$0x3FA8] =	sst s10  }
0x35: {  	s10 =	sld [smem:$0x3FA7];
	_ =	sdelay $0x3  }
0x36: {  	p1 =	seq.s32 s10, $0x1;
	s10 =	sld [smem:$0x3FA8];
	_ =	sdelay $0x3  }
0x37: {  	[smem:$0x3FA8] =	sst s10  }
0x38: {  	s10 =	sld [smem:$0x3FA9]  }
0x39: {  	_ = 	snop;
	(pc) =	sbr.ind lr, $3  }
0x3a: {  	_ = 	snop  }
0x3b: {  	_ = 	snop  }
0x3c: {  	p2 =	seq.s32 s10, $0x1;
	s10 =	sld [smem:$0x3FA8]  }
0x3d: {  	_ =	shalt  }
0x3e: {  	_ =	shalt  }
0x3f: {  	_ =	shalt  }
0x40: {  	_ =	shalt  }
0x41: {  	_ =	shalt  }
0x42: {  	_ =	shalt  }
0x43: {  	_ =	shalt  }
0x44: {  	_ =	shalt  }
0x45: {  	_ =	shalt  }
0x46: {  	_ =	shalt  }
0x47: {  	_ =	shalt  }
0x48: {  	_ =	shalt  }
0x49: {  	_ =	shalt  }
0x4a: {  	_ =	shalt  }
0x4b: {  	_ =	shalt  }
0x4c: {  	_ =	shalt  }
0x4d: {  	_ =	shalt  }
0x4e: {  	_ =	shalt  }
0x4f: {  	_ =	shalt  }
0x50: {  	_ =	shalt  }
0x51: {  	_ =	shalt  }
0x52: {  	_ =	shalt  }
0x53: {  	_ =	shalt  }
0x54: {  	_ =	shalt  }
0x55: {  	_ =	shalt  }
0x56: {  	_ =	shalt  }
0x57: {  	_ =	shalt  }
0x58: {  	_ =	shalt  }
0x59: {  	_ =	shalt  }
0x5a: {  	_ =	shalt  }
0x5b: {  	_ =	shalt  }
0x5c: {  	_ =	shalt  }
0x5d: {  	_ =	shalt  }
0x5e: {  	_ =	shalt  }
0x5f: {  	_ =	shalt  }
0x60: {  	_ =	shalt  }
0x61: {  	_ =	shalt  }
0x62: {  	_ =	shalt  }
0x63: {  	_ =	shalt  }
0x64: {  	_ =	shalt  }
0x65: {  	_ =	shalt  }
0x66: {  	_ =	shalt  }
0x67: {  	_ =	shalt  }
0x68: {  	_ =	shalt  }
0x69: {  	_ =	shalt  }
0x6a: {  	_ =	shalt  }
0x6b: {  	_ =	shalt  }
0x6c: {  	_ =	shalt  }
0x6d: {  	_ =	shalt  }
0x6e: {  	_ =	shalt  }
0x6f: {  	_ =	shalt  }
0x70: {  	_ =	shalt  }
0x71: {  	_ =	shalt  }
0x72: {  	_ =	shalt  }
0x73: {  	_ =	shalt  }
0x74: {  	_ =	shalt  }
0x75: {  	_ =	shalt  }
0x76: {  	_ =	shalt  }
0x77: {  	_ =	shalt  }
0x78: {  	_ =	shalt  }
0x79: {  	_ =	shalt  }
0x7a: {  	_ =	shalt  }
0x7b: {  	_ =	shalt  }
0x7c: {  	_ =	shalt  }
0x7d: {  	_ =	shalt  }
0x7e: {  	_ =	shalt  }
0x7f: {  	_ =	shalt  }
0x80: {  	_ =	shalt  }
0x81: {  	_ =	shalt  }
0x82: {  	_ =	shalt  }
0x83: {  	_ =	shalt  }
0x84: {  	_ =	shalt  }
0x85: {  	_ =	shalt  }
0x86: {  	_ =	shalt  }
0x87: {  	_ =	shalt  }
.Lfunc_end0:
.L_simem_size_0:
called_computation.2_lowered:
.L_overlay_start_0:
0x88: {  	s2 =	sld [smem:$0x3FD9]  }
0x89: {  	s3 =	sld [smem:$0x3FFE];
	_ =	sdelay $0x1  }
0x8a: {  	s1 =	srdreg.scid  }
0x8b: {  	s0 =	sand.u32 $0x1, s1  }
0x8c: {  	s16 =	sshll.u32 s0, $0xA;
	s2 =	sadd.s32 s3, s2  }
0x8d: {  	s2 =	sadd.s32 s2, s16  }
0x8e: {  	[smem:$0x3FB4] =	sst s2  }
0x8f: {  	_ = 	snop  }
0x90: {  	(tm) =	ssettm $0x1  }
0x91: {  	s17 =	sld [smem:$0x3FFB];
	_ =	sdelay $0x3  }
0x92: {  	_ =	strace s17  }
0x93: {  	s2 =	sld [smem:$0x3FFC];
	_ =	sdelay $0x3  }
0x94: {  	_ =	strace s2  }
0x95: {  	s2 =	sld [smem:$0x3FFD];
	_ =	sdelay $0x3  }
0x96: {  	_ =	strace s2  }
0x97: {  	_ =	strace $0x8FFFFFFF  }
0x98: {  	s18 =	sld [smem:$0x3FDB];
	_ =	sdelay $0x1  }
0x99: {  	s19 =	simm.s32 $_scs_section_size  }
0x9a: {  	s4 =	simm.s32 $_size__tile_overlayer_lowered;
	s5 =	simm.s32 $_tile_overlayer_lowered  }
0x9b: {  	s22 =	simm.s32 $0x1BFF;
	s21 =	sshll.u32 s5, $0x1;
	s2 =	sadd.s32 s19, s18  }
0x9c: {  	s6 =	simm.s32 $0x0;
	s20 =	sshll.u32 s4, $0x1;
	s4 =	sadd.s32 s21, s2  }
0x9d: {  	[timem:s6], [sflag:s22] =	dma.local [hbm:s4], s20  }
0x9e: {  	_ =	swait.ge [sflag:s22], s20  }
0x9f: {  	s3 =	ssub.s32 $0x0, s20;
	[sflag:s22] =	ssyncset.done $0x0  }
0xa0: {  	[sflag:s22] =	ssyncadd.s32 s3;
	_ =	sdelay $0x1  }
0xa1: {  	s23 =	simm.s32 $0x1B8B  }
0xa2: {  	_ =	swait.ge [sflag:s23], $0x1  }
0xa3: {  	[sflag:s23] =	ssyncset.done $0x0  }
0xa4: {  	s25 =	simm.s32 $0x1B8E;
	s24 =	sld [smem:$0x3FFE];
	[sflag:s23] =	ssyncadd.s32 $0xFFFFFFFF  }
0xa5: {  	s26 =	simm.s32 $execute0_lowered;
	[smem:$0x3FD2] =	sst s25  }
0xa6: {  	s4 =	sshll.u32 s26, $0x1;
	_ =	strace $0x8000004C;
	[dreg:$0x1] =	wrdreg $0xFFFFFFFF  }
0xa7: {  	s28 =	simm.s32 $_size_execute0_lowered;
	s2 =	sadd.s32 s2, s4;
	[dreg:$0x0] =	wrdreg $0x0  }
0xa8: {  	s4 =	sshll.u32 s28, $0x1;
	[dreg:$0x2] =	wrdreg s2  }
0xa9: {  	[dreg:$0x3] =	wrdreg s4  }
0xaa: {  	[dreg:$0x4] =	wrdreg $0xC0  }
0xab: {  	_ =	task [dreg:s6], $0x5FFFF  }
0xac: {  	[dreg:$0x1] =	wrdreg $0xFFFFFFFF  }
0xad: {  	[dreg:$0x0] =	wrdreg $0x60  }
0xae: {  	[dreg:$0x2] =	wrdreg s24  }
0xaf: {  	[dreg:$0x3] =	wrdreg $0xB7800  }
0xb0: {  	[dreg:$0x4] =	wrdreg $0x9  }
0xb1: {  	_ =	task.clear_ibuf [dreg:s6], $0x5FFFF;
	_ =	strace $0x9000004C  }
0xb2: {  	s29 =	simm.s32 $0x9;
	_ =	strace $0x8000004E  }
0xb3: {  	_ =	swait.ge [sflag:s29], $0x1  }
0xb4: {  	[sflag:s29] =	ssyncadd.s32 $0xFFFFFFFF  }
0xb5: {  	_ =	strace $0x9000004E  }
0xb6: {  	_ =	sfence  }
0xb7: {  	s30 =	sld [smem:$0x0];
	_ =	sdelay $0x2  }
0xb8: {  	s31 =	sshll.u32 s1, $0xD;
	s1 =	sshrl.u32 s1, $0x2  }
0xb9: {  	s3 =	sand.u32 $0x4000, s31;
	s1 =	sadd.s32 s1, s30  }
0xba: {  	s0 =	sor.u32 s3, s0;
	s1 =	sshll.u32 s1, $0x11  }
0xbb: {  	s0 =	sor.u32 s1, s0  }
0xbc: {  	s0 =	sadd.s32 $0x8F2B, s0  }
0xbd: {  	[sflag:s0] =	ssyncadd.remote.s32 $0x1  }
0xbe: {  	_ =	sfence.sel $0xFFFF  }
0xbf: {  	[dreg:$0x0] =	wrdreg $0xFFFFFFFF;
	(pc) =	sbr.abs _section_cstart, $3  }
0xc0: {  	[dreg:$0x1] =	wrdreg $0xFFFFFFFF  }
0xc1: {  	_ =	task.clear_ibuf [dreg:s6], $0x2FFFF;
	_ =	strace $0x9FFFFFFF  }
0xc2: {  	(tm) =	ssettm $0x7FFFFFFF  }
0xc3: {  	_ =	shalt  }
tec
execute0_lowered:
.L_overlay_start_1:
0x0: {  	(tag) =	ssettag $0x1  }
0x1: {  	s6 =	rddreg [dreg:$0x0]  }
0x2: {  	s0 =	srdreg.scid;
	s2 =	rddreg [dreg:$0x1]  }
0x3: {  	s3 =	simm.s32 $0x0;
	s12 =	simm.s32 $0x3;
	s13 =	simm.s32 $0x2780  }
0x4: {  	s16 =	simm.s32 $0x50;
	s17 =	simm.s32 $0x6780;
	s18 =	simm.s32 $0x8F80  }
0x5: {  	s19 =	simm.s32 $0x1;
	s20 =	simm.s32 $0x2;
	s21 =	simm.s32 $0x6580  }
0x6: {  	s22 =	simm.s32 $0x0;
	s5 =	sand.u32 $0x1, s0;
	s0 =	stileid.u32  }
0x7: {  	[smem:$0x7FF] =	sst s3;
	s1 =	sshll.u32 s5, $0x4;
	s9 =	smul.u32 $0x140000, s5  }
0x8: {  	s8 =	sshll.u32 s0, $0x7;
	s10 =	smul.u32 $0x14000, s0;
	s29 =	ssub.s32 $0x2, s5  }
0x9: {  	s11 =	smul.u32 $0x50000, s0;
	s5 =	sadd.s32 $0x35000, s6;
	s14 =	sshll.u32 s0, $0x6  }
0xa: {  	s7 =	sor.u32 s0, s1;
	s1 =	rddreg [dreg:$0x2];
	s8 =	sand.u32 $0x380, s8  }
0xb: {  	_ =	strace $0x8000004D;
	s30 =	sshrl.u32 s29, $0x1;
	s4 =	sshrl.u32 s7, $0x3  }
0xc: {  	s14 =	sor.u32 $0x1C03, s14;
	s7 =	sshll.u32 s7, $0xB;
	s4 =	smul.u32 $0x13C00, s4  }
0xd: {  	s9 =	sadd.s32 s10, s9;
	s10 =	ssub.s32 s29, s30;
	s31 =	sshrl.u32 s11, $0x2  }
0xe: {  	s11 =	simm.s32 $0x400;
	s7 =	sadd.s32 s7, s6;
	s8 =	sor.u32 s8, s4  }
0xf: {  	s9 =	sshrl.u32 s9, $0x3;
	s15 =	sadd.s32 s31, s2;
	s8 =	sshrl.u32 s8, $0x3  }
0x10: {  	s9 =	sadd.s32 s9, s6;
	s7 =	sadd.s32 $0x40800, s7;
	s8 =	sadd.s32 s8, s6  }
0x11: {  	s15 =	sshrl.u32 s15, $0x3;
	s4 =	sadd.s32 $0xD000, s6;
	s6 =	sadd.s32 $0x3200, s8  }
0x12: {  	s8 =	sadd.s32 $0x50800, s9;
	s9 =	smax.u32 s10, $0x1;
	s10 =	simm.s32 $0x80  }
.LBB2_1:
0x13: {  	[tilespmem:s3], [sflag:$0x3] =	stream.strided.gather [hbm4b:s6+s10], $0x2780, s11, s10, $0x38;
	[tilespmem:$0x1F780] =	vst v63  }
0x14: {  	_ =	swait.ge [sflag:s12], $0x2780  }
0x15: {  	[sflag:s12] =	ssyncset.done $0x0  }
0x16: {  	[sflag:s12] =	ssyncadd.s32 $0xFFFFD880  }
0x17: {  	[tilespmem:s13], [sflag:$0x3] =	stream.linear.gather [hbm4b:s7+s3], $0x3E80, $0x38;
	[tilespmem:$0x1F780] =	vst v63  }
0x18: {  	_ =	swait.ge [sflag:s12], $0x3E80  }
0x19: {  	[sflag:s12] =	ssyncset.done $0x0  }
0x1a: {  	[sflag:s12] =	ssyncadd.s32 $0xFFFFC180  }
0x1b: {  	[spmem:s15], [sflag:s14] =	dma.local [hbm:s5], $0x2800  }
0x1c: {  	_ =	swait.ge [sflag:s12], $0x2800  }
0x1d: {  	[sflag:s12] =	ssyncset.done $0x0  }
0x1e: {  	[sflag:s12] =	ssyncadd.s32 $0xFFFFD800  }
0x1f: {  	[bflag:$0x0] =	sbarrier.arrive $0xFFFF  }
0x20: {  	[tilespmem:s17], [sflag:$0x1] =	stream.indirect.gather [hbm4b:s4+s16], $0x80, s3, s16, $0xb8;
	[tilespmem:$0x1F780] =	vst v63  }
0x21: {  	s23 =	simm.s32 $0x50  }
0x22: {  	[tilespmem:s18], [sflag:$0x2] =	stream.indirect.gather [hbm4b:s4+s16], $0x80, s23, s16, $0xb8;
	[tilespmem:$0x1F780] =	vst v63  }
0x23: {  	_ =	swait.ge [sflag:s19], $0x2800  }
0x24: {  	[sflag:s19] =	ssyncset.done $0x0  }
0x25: {  	s29 =	simm.s32 $0x2780;
	[sflag:s19] =	ssyncadd.s32 $0xFFFFD800  }
0x26: {  	[spmem:s2] =	stream.indirect.scatter.add.f32 [tilespmem:s17], [sflag:$0x3], $0x80, s29, s16, $0xb8;
	[tilespmem:$0x1F780] =	vst v63  }
0x27: {  	_ =	swait.ge [sflag:s12], $0x2800  }
0x28: {  	[sflag:s12] =	ssyncset.done $0x0  }
0x29: {  	s30 =	simm.s32 $0xA0;
	[sflag:s12] =	ssyncadd.s32 $0xFFFFD800  }
0x2a: {  	[tilespmem:s17], [sflag:$0x1] =	stream.indirect.gather [hbm4b:s4+s16], $0x80, s30, s16, $0xb8;
	[tilespmem:$0x1F780] =	vst v63  }
0x2b: {  	_ =	swait.ge [sflag:s20], $0x2800  }
0x2c: {  	[sflag:s20] =	ssyncset.done $0x0  }
0x2d: {  	s31 =	simm.s32 $0x2800;
	[sflag:s20] =	ssyncadd.s32 $0xFFFFD800  }
0x2e: {  	[spmem:s2] =	stream.indirect.scatter.add.f32 [tilespmem:s18], [sflag:$0x3], $0x80, s31, s16, $0xb8;
	[tilespmem:$0x1F780] =	vst v63  }
0x2f: {  	s24 =	simm.s32 $0x400;
	_ =	swait.ge [sflag:s12], $0x2800  }
0x30: {  	s25 =	simm.s32 $0x800;
	s23 =	simm.s32 $0x140;
	[sflag:s12] =	ssyncset.done $0x0  }
.LBB2_2:
0x31: {  	p0 =	sne.s32 s25, $0xF400;
	s26 =	sadd.s32 $0xFFFFFFB0, s23;
	[sflag:s12] =	ssyncadd.s32 $0xFFFFD800  }
0x32: {  	[tilespmem:s18], [sflag:$0x2] =	stream.indirect.gather [hbm4b:s4+s16], $0x80, s26, s16, $0xb8;
	[tilespmem:$0x1F780] =	vst v63  }
0x33: {  	s26 =	smov.u32 s25;
	s25 =	sadd.s32 $0x400, s25;
	_ =	swait.ge [sflag:s19], $0x2800  }
0x34: {  	s28 =	sshra.s32 s24, $0x2;
	s24 =	smov.u32 s26;
	[sflag:s19] =	ssyncset.done $0x0  }
0x35: {  	s26 =	sadd.s32 $0x2780, s28;
	[sflag:s19] =	ssyncadd.s32 $0xFFFFD800  }
0x36: {  	[spmem:s2] =	stream.indirect.scatter.add.f32 [tilespmem:s17], [sflag:$0x3], $0x80, s26, s16, $0xb8;
	[tilespmem:$0x1F780] =	vst v63  }
0x37: {  	_ =	swait.ge [sflag:s12], $0x2800  }
0x38: {  	[sflag:s12] =	ssyncset.done $0x0  }
0x39: {  	[sflag:s12] =	ssyncadd.s32 $0xFFFFD800  }
0x3a: {  	[tilespmem:s17], [sflag:$0x1] =	stream.indirect.gather [hbm4b:s4+s16], $0x80, s23, s16, $0xb8;
	[tilespmem:$0x1F780] =	vst v63  }
0x3b: {  	_ =	swait.ge [sflag:s20], $0x2800  }
.Ltmp0:
0x3c: {  	[sflag:s20] =	ssyncset.done $0x0;
	(pc) =	sbr.rel @p0 .LBB2_2-.Ltmp0, $4  }
0x3d: {  	s26 =	sadd.s32 $0x2800, s28;
	[sflag:s20] =	ssyncadd.s32 $0xFFFFD800  }
0x3e: {  	[spmem:s2] =	stream.indirect.scatter.add.f32 [tilespmem:s18], [sflag:$0x3], $0x80, s26, s16, $0xb8;
	[tilespmem:$0x1F780] =	vst v63  }
0x3f: {  	_ =	swait.ge [sflag:s12], $0x2800  }
0x40: {  	s23 =	sadd.s32 $0xA0, s23;
	[sflag:s12] =	ssyncset.done $0x0  }
0x41: {  	s25 =	sadd.s32 $0xFFFFFFB0, s23;
	[sflag:s12] =	ssyncadd.s32 $0xFFFFD800  }
0x42: {  	[tilespmem:s18], [sflag:$0x2] =	stream.indirect.gather [hbm4b:s4+s16], $0x80, s25, s16, $0xb8;
	[tilespmem:$0x1F780] =	vst v63  }
0x43: {  	_ =	swait.ge [sflag:s19], $0x2800  }
0x44: {  	s24 =	sshra.s32 s24, $0x2;
	[sflag:s19] =	ssyncset.done $0x0  }
0x45: {  	s30 =	sadd.s32 $0x2780, s24;
	[sflag:s19] =	ssyncadd.s32 $0xFFFFD800  }
0x46: {  	[spmem:s2] =	stream.indirect.scatter.add.f32 [tilespmem:s17], [sflag:$0x3], $0x80, s30, s16, $0xb8;
	[tilespmem:$0x1F780] =	vst v63  }
0x47: {  	_ =	swait.ge [sflag:s12], $0x2800  }
0x48: {  	[sflag:s12] =	ssyncset.done $0x0  }
0x49: {  	[sflag:s12] =	ssyncadd.s32 $0xFFFFD800  }
0x4a: {  	[tilespmem:s17], [sflag:$0x1] =	stream.indirect.gather [hbm4b:s4+s16], $0x80, s23, s16, $0xb8;
	[tilespmem:$0x1F780] =	vst v63  }
0x4b: {  	_ =	swait.ge [sflag:s20], $0x2800  }
0x4c: {  	[sflag:s20] =	ssyncset.done $0x0  }
0x4d: {  	s31 =	sadd.s32 $0x2800, s24;
	[sflag:s20] =	ssyncadd.s32 $0xFFFFD800  }
0x4e: {  	[spmem:s2] =	stream.indirect.scatter.add.f32 [tilespmem:s18], [sflag:$0x3], $0x80, s31, s16, $0xb8;
	[tilespmem:$0x1F780] =	vst v63  }
0x4f: {  	_ =	swait.ge [sflag:s12], $0x2800  }
0x50: {  	[sflag:s12] =	ssyncset.done $0x0  }
0x51: {  	[sflag:s12] =	ssyncadd.s32 $0xFFFFD800  }
0x52: {  	_ =	swait.ge [sflag:s19], $0x2800  }
0x53: {  	[sflag:s19] =	ssyncset.done $0x0  }
0x54: {  	[sflag:s19] =	ssyncadd.s32 $0xFFFFD800  }
0x55: {  	[spmem:s2] =	stream.indirect.scatter.add.f32 [tilespmem:s17], [sflag:$0x3], $0x80, s21, s16, $0xb8;
	[tilespmem:$0x1F780] =	vst v63  }
0x56: {  	_ =	swait.ge [sflag:s12], $0x2800  }
0x57: {  	s22 =	sadd.s32 $0x1, s22;
	[sflag:s12] =	ssyncset.done $0x0  }
0x58: {  	p0 =	sne.s32 s22, s9;
	[sflag:s12] =	ssyncadd.s32 $0xFFFFD800  }
.Ltmp1:
0x59: {  	[bflag:$0x0] =	sbarrier.arrive $0xFFFF;
	(pc) =	sbr.rel @p0 .LBB2_1-.Ltmp1, $4  }
0x5a: {  	[hbm:s8], [sflag:s14] =	dma.local [spmem:s15], $0x2800  }
0x5b: {  	_ =	swait.ge [sflag:s12], $0x2800  }
0x5c: {  	[sflag:s12] =	ssyncset.done $0x0  }
0x5d: {  	[sflag:s12] =	ssyncadd.s32 $0xFFFFD800  }
0x5e: {  	_ =	sfence.sel $0x180000  }
0x5f: {  	[bflag:$0x0] =	sbarrier.arrive $0xFFFF  }
0x60: {  	p0 =	sne.s32 s0, $0x0;
	_ =	strace $0x9000004D  }
0x61: {  	s0 =	sadd.s32 @!p0 $0x100000, s1;
	[bflag:$0x2] =	sbarrier.arrive $0xFFFF  }
0x62: {  	[sflag:s0] =	ssyncadd.tile.s32 @!p0 $0x1;
	_ =	shalt  }
.Lfunc_end2:
_tile_overlayer_lowered:
.L_overlay_start_2:
0x63: {  	(tag) =	ssettag $0x2  }
0x64: {  	s0 =	rddreg [dreg:$0x0];
	s2 =	stileid.u32  }
0x65: {  	s1 =	rddreg [dreg:$0x1];
	p0 =	sne.s32 s2, $0x0  }
0x66: {  	s3 =	rddreg [dreg:$0x2];
	[bflag:$0x3] =	sbarrier.arrive $0xFFFF;
	s2 =	simm.s32 @!p0 $0x1C03  }
0x67: {  	[timem:s3], [sflag:s2] =	dma.local @!p0 [hbm:s0], s1  }
0x68: {  	s0 =	simm.s32 @!p0 $0x3  }
0x69: {  	_ =	swait.ge @!p0 [sflag:s0], s1  }
0x6a: {  	s1 =	ssub.s32 @!p0 $0x0, s1;
	[sflag:s0] =	ssyncset.done @!p0 $0x0  }
0x6b: {  	[sflag:s0] =	ssyncadd.s32 @!p0 s1  }
0x6c: {  	[bflag:$0x3] =	sbarrier.arrive $0xFFFF  }
0x6d: {  	_ =	shalt  }

// kernel: kernel.19.cloned.1.call-start
scs
__scs_entry_jumppad:
0x0: {  	(pc) =	sbr.rel $0x88, $3  }
0x1: {  	(tag) =	ssettag $0x0;
	lr =	simm.s32 $0x1  }
0x2: {  	[smem:$0x3F8D] =	sst lr;
	_ =	strace $0xD0000000  }
0x3: {  	_ = 	snop  }
0x4: {  	_ = 	snop  }
0x5: {  	_ = 	snop  }
0x6: {  	_ = 	snop  }
0x7: {  	_ = 	snop  }
__scs_overlays_trampoline_lowered:
0x8: {  	[smem:$0x3F9C] =	sst s0  }
0x9: {  	[smem:$0x3F9D] =	sst s1  }
0xa: {  	[smem:$0x3F9E] =	sst s2  }
0xb: {  	[smem:$0x3F9F] =	sst s3  }
0xc: {  	[smem:$0x3FA0] =	sst s4  }
0xd: {  	[smem:$0x3FA1] =	sst s5  }
0xe: {  	[smem:$0x3FA2] =	sst s6  }
0xf: {  	[smem:$0x3FA3] =	sst s7  }
0x10: {  	[smem:$0x3FA4] =	sst s8  }
0x11: {  	[smem:$0x3FA5] =	sst s9;
	s0 =	simm.s32 @!p0 $0x0  }
0x12: {  	s1 =	sld [smem:$0x3F8B];
	s0 =	simm.s32 @p0 $0x1  }
0x13: {  	[smem:$0x3FA6] =	sst s0;
	s0 =	simm.s32 @!p1 $0x0  }
0x14: {  	s2 =	sld [smem:$0x3F8A];
	s0 =	simm.s32 @p1 $0x1  }
0x15: {  	[smem:$0x3FA7] =	sst s0;
	s0 =	simm.s32 @!p2 $0x0  }
0x16: {  	s3 =	sld [smem:$0x3FDB];
	s0 =	simm.s32 @p2 $0x1  }
0x17: {  	s4 =	simm.s32 $0x1BF5;
	[smem:$0x3FA9] =	sst s0  }
0x18: {  	s0 =	sld [smem:$0x3F8C];
	_ =	swait.ge [sflag:s4], $0x0  }
0x19: {  	s7 =	sld [smem:$0x3F8D]  }
0x1a: {  	s8 =	sadd.s32 $0xFFFFE003, lr  }
0x1b: {  	s9 =	sadd.s32 $0xFFFFFEF7, lr;
	s5 =	simm.s32 $0xFFFFFFFF;
	p2 =	slt.u32 s8, $0xFFFFF086  }
0x1c: {  	p1 =	slt.u32 s9, $0xF7A;
	s5 =	simm.s32 @!p2 $0x0  }
0x1d: {  	s5 =	simm.s32 @p1 $0x1;
	p0 =	seq.s32 s7, s2  }
0x1e: {  	s7 =	smul.u32 @!p0 $0xF7A, s2;
	p2 =	seq.s32 @!p0 s5, $0x0  }
0x1f: {  	s9 =	smul.u32 $0xF7A, s1;
	s8 =	simm.s32 @!p0 $0x1BF5;
	p2 =	por !p2, p0  }
0x20: {  	[sflag:s8] =	ssyncset.s32 @!p0 $0xFFFFF086;
	s6 =	sadd.s32 @!p0 s3, s7;
	s7 =	simm.s32 @!p0 $0x108  }
0x21: {  	s3 =	sadd.s32 s3, s9;
	s6 =	sadd.s32 @!p0 $0x88, s6;
	s7 =	simm.s32 @p2 $0x1082  }
0x22: {  	[simem:s7], [sflag:s8] =	dma.local @!p0 [hbm:s6], $0xF7A  }
0x23: {  	s9 =	sor.u32 $0xD0000000, s2;
	s6 =	simm.s32 $0x108;
	_ =	swait.ge @!p0 [sflag:s8], $0x0  }
0x24: {  	s3 =	sadd.s32 $0x88, s3;
	s6 =	simm.s32 @!p1 $0x1082;
	[sflag:s4] =	ssyncset.s32 $0xFFFFF086  }
0x25: {  	[simem:s6], [sflag:s4] =	dma.local [hbm:s3], $0xF7A  }
0x26: {  	[smem:$0x3F8D] =	sst s1;
	(tag) =	ssettag s2;
	_ =	strace s9  }
0x27: {  	s1 =	sld [smem:$0x3F9D]  }
0x28: {  	s2 =	sld [smem:$0x3F9E]  }
0x29: {  	s4 =	sld [smem:$0x3FA0]  }
0x2a: {  	p0 =	seq.s32 s5, $0x0;
	s5 =	sld [smem:$0x3FA1]  }
0x2b: {  	s6 =	sld [smem:$0x3FA2]  }
0x2c: {  	s7 =	sld [smem:$0x3FA3]  }
0x2d: {  	s3 =	simm.s32 $0x108;
	s8 =	sld [smem:$0x3FA4]  }
0x2e: {  	s3 =	simm.s32 @!p0 $0x1082;
	s9 =	sld [smem:$0x3FA5]  }
0x2f: {  	lr =	sadd.s32 s0, s3;
	s0 =	sld [smem:$0x3F9C]  }
0x30: {  	s3 =	sld [smem:$0x3F9F]  }
0x31: {  	[smem:$0x3FA8] =	sst s10  }
0x32: {  	s10 =	sld [smem:$0x3FA6];
	_ =	sdelay $0x3  }
0x33: {  	p0 =	seq.s32 s10, $0x1;
	s10 =	sld [smem:$0x3FA8];
	_ =	sdelay $0x3  }
0x34: {  	[smem:$0x3FA8] =	sst s10  }
0x35: {  	s10 =	sld [smem:$0x3FA7];
	_ =	sdelay $0x3  }
0x36: {  	p1 =	seq.s32 s10, $0x1;
	s10 =	sld [smem:$0x3FA8];
	_ =	sdelay $0x3  }
0x37: {  	[smem:$0x3FA8] =	sst s10  }
0x38: {  	s10 =	sld [smem:$0x3FA9]  }
0x39: {  	_ = 	snop;
	(pc) =	sbr.ind lr, $3  }
0x3a: {  	_ = 	snop  }
0x3b: {  	_ = 	snop  }
0x3c: {  	p2 =	seq.s32 s10, $0x1;
	s10 =	sld [smem:$0x3FA8]  }
0x3d: {  	_ =	shalt  }
0x3e: {  	_ =	shalt  }
0x3f: {  	_ =	shalt  }
0x40: {  	_ =	shalt  }
0x41: {  	_ =	shalt  }
0x42: {  	_ =	shalt  }
0x43: {  	_ =	shalt  }
0x44: {  	_ =	shalt  }
0x45: {  	_ =	shalt  }
0x46: {  	_ =	shalt  }
0x47: {  	_ =	shalt  }
0x48: {  	_ =	shalt  }
0x49: {  	_ =	shalt  }
0x4a: {  	_ =	shalt  }
0x4b: {  	_ =	shalt  }
0x4c: {  	_ =	shalt  }
0x4d: {  	_ =	shalt  }
0x4e: {  	_ =	shalt  }
0x4f: {  	_ =	shalt  }
0x50: {  	_ =	shalt  }
0x51: {  	_ =	shalt  }
0x52: {  	_ =	shalt  }
0x53: {  	_ =	shalt  }
0x54: {  	_ =	shalt  }
0x55: {  	_ =	shalt  }
0x56: {  	_ =	shalt  }
0x57: {  	_ =	shalt  }
0x58: {  	_ =	shalt  }
0x59: {  	_ =	shalt  }
0x5a: {  	_ =	shalt  }
0x5b: {  	_ =	shalt  }
0x5c: {  	_ =	shalt  }
0x5d: {  	_ =	shalt  }
0x5e: {  	_ =	shalt  }
0x5f: {  	_ =	shalt  }
0x60: {  	_ =	shalt  }
0x61: {  	_ =	shalt  }
0x62: {  	_ =	shalt  }
0x63: {  	_ =	shalt  }
0x64: {  	_ =	shalt  }
0x65: {  	_ =	shalt  }
0x66: {  	_ =	shalt  }
0x67: {  	_ =	shalt  }
0x68: {  	_ =	shalt  }
0x69: {  	_ =	shalt  }
0x6a: {  	_ =	shalt  }
0x6b: {  	_ =	shalt  }
0x6c: {  	_ =	shalt  }
0x6d: {  	_ =	shalt  }
0x6e: {  	_ =	shalt  }
0x6f: {  	_ =	shalt  }
0x70: {  	_ =	shalt  }
0x71: {  	_ =	shalt  }
0x72: {  	_ =	shalt  }
0x73: {  	_ =	shalt  }
0x74: {  	_ =	shalt  }
0x75: {  	_ =	shalt  }
0x76: {  	_ =	shalt  }
0x77: {  	_ =	shalt  }
0x78: {  	_ =	shalt  }
0x79: {  	_ =	shalt  }
0x7a: {  	_ =	shalt  }
0x7b: {  	_ =	shalt  }
0x7c: {  	_ =	shalt  }
0x7d: {  	_ =	shalt  }
0x7e: {  	_ =	shalt  }
0x7f: {  	_ =	shalt  }
0x80: {  	_ =	shalt  }
0x81: {  	_ =	shalt  }
0x82: {  	_ =	shalt  }
0x83: {  	_ =	shalt  }
0x84: {  	_ =	shalt  }
0x85: {  	_ =	shalt  }
0x86: {  	_ =	shalt  }
0x87: {  	_ =	shalt  }
.Lfunc_end0:
.L_simem_size_0:
called_computation.3_lowered:
.L_overlay_start_0:
0x88: {  	s2 =	sld [smem:$0x3FD9]  }
0x89: {  	s3 =	sld [smem:$0x3FFE];
	_ =	sdelay $0x1  }
0x8a: {  	s1 =	srdreg.scid  }
0x8b: {  	s0 =	sand.u32 $0x1, s1  }
0x8c: {  	s16 =	sshll.u32 s0, $0xA;
	s2 =	sadd.s32 s3, s2  }
0x8d: {  	s2 =	sadd.s32 s2, s16  }
0x8e: {  	[smem:$0x3FB4] =	sst s2  }
0x8f: {  	_ = 	snop  }
0x90: {  	(tm) =	ssettm $0x1  }
0x91: {  	s17 =	sld [smem:$0x3FFB];
	_ =	sdelay $0x3  }
0x92: {  	_ =	strace s17  }
0x93: {  	s2 =	sld [smem:$0x3FFC];
	_ =	sdelay $0x3  }
0x94: {  	_ =	strace s2  }
0x95: {  	s2 =	sld [smem:$0x3FFD];
	_ =	sdelay $0x3  }
0x96: {  	_ =	strace s2  }
0x97: {  	_ =	strace $0x8FFFFFFF  }
0x98: {  	s18 =	sld [smem:$0x3FDB];
	_ =	sdelay $0x1  }
0x99: {  	s19 =	simm.s32 $_scs_section_size  }
0x9a: {  	s4 =	simm.s32 $_size__tile_overlayer_lowered;
	s5 =	simm.s32 $_tile_overlayer_lowered  }
0x9b: {  	s22 =	simm.s32 $0x1BFF;
	s21 =	sshll.u32 s5, $0x1;
	s2 =	sadd.s32 s19, s18  }
0x9c: {  	s6 =	simm.s32 $0x0;
	s20 =	sshll.u32 s4, $0x1;
	s4 =	sadd.s32 s21, s2  }
0x9d: {  	[timem:s6], [sflag:s22] =	dma.local [hbm:s4], s20  }
0x9e: {  	_ =	swait.ge [sflag:s22], s20  }
0x9f: {  	s3 =	ssub.s32 $0x0, s20;
	[sflag:s22] =	ssyncset.done $0x0  }
0xa0: {  	[sflag:s22] =	ssyncadd.s32 s3;
	_ =	sdelay $0x1  }
0xa1: {  	s23 =	simm.s32 $0x1B8B  }
0xa2: {  	_ =	swait.ge [sflag:s23], $0x1  }
0xa3: {  	[sflag:s23] =	ssyncset.done $0x0  }
0xa4: {  	s25 =	simm.s32 $0x1B8E;
	s24 =	sld [smem:$0x3FFE];
	[sflag:s23] =	ssyncadd.s32 $0xFFFFFFFF  }
0xa5: {  	s26 =	simm.s32 $execute0_lowered;
	[smem:$0x3FD2] =	sst s25  }
0xa6: {  	s4 =	sshll.u32 s26, $0x1;
	_ =	strace $0x8000004F;
	[dreg:$0x1] =	wrdreg $0xFFFFFFFF  }
0xa7: {  	s28 =	simm.s32 $_size_execute0_lowered;
	s2 =	sadd.s32 s2, s4;
	[dreg:$0x0] =	wrdreg $0x0  }
0xa8: {  	s4 =	sshll.u32 s28, $0x1;
	[dreg:$0x2] =	wrdreg s2  }
0xa9: {  	[dreg:$0x3] =	wrdreg s4  }
0xaa: {  	[dreg:$0x4] =	wrdreg $0xC0  }
0xab: {  	_ =	task [dreg:s6], $0x5FFFF  }
0xac: {  	[dreg:$0x1] =	wrdreg $0xFFFFFFFF  }
0xad: {  	[dreg:$0x0] =	wrdreg $0x60  }
0xae: {  	[dreg:$0x2] =	wrdreg s24  }
0xaf: {  	[dreg:$0x3] =	wrdreg $0x9  }
0xb0: {  	_ =	task.clear_ibuf [dreg:s6], $0x4FFFF;
	_ =	strace $0x9000004F  }
0xb1: {  	s29 =	simm.s32 $0x9;
	_ =	strace $0x80000051  }
0xb2: {  	_ =	swait.ge [sflag:s29], $0x1  }
0xb3: {  	[sflag:s29] =	ssyncadd.s32 $0xFFFFFFFF  }
0xb4: {  	_ =	strace $0x90000051  }
0xb5: {  	_ =	sfence  }
0xb6: {  	s30 =	sld [smem:$0x0];
	_ =	sdelay $0x2  }
0xb7: {  	s31 =	sshll.u32 s1, $0xD;
	s1 =	sshrl.u32 s1, $0x2  }
0xb8: {  	s3 =	sand.u32 $0x4000, s31;
	s1 =	sadd.s32 s1, s30  }
0xb9: {  	s0 =	sor.u32 s3, s0;
	s1 =	sshll.u32 s1, $0x11  }
0xba: {  	s0 =	sor.u32 s1, s0  }
0xbb: {  	s0 =	sadd.s32 $0x8F2B, s0  }
0xbc: {  	[sflag:s0] =	ssyncadd.remote.s32 $0x1  }
0xbd: {  	_ =	sfence.sel $0xFFFF  }
0xbe: {  	[dreg:$0x0] =	wrdreg $0xFFFFFFFF;
	(pc) =	sbr.abs _section_cstart, $3  }
0xbf: {  	[dreg:$0x1] =	wrdreg $0xFFFFFFFF  }
0xc0: {  	_ =	task.clear_ibuf [dreg:s6], $0x2FFFF;
	_ =	strace $0x9FFFFFFF  }
0xc1: {  	(tm) =	ssettm $0x7FFFFFFF  }
tec
execute0_lowered:
.L_overlay_start_1:
0x0: {  	(tag) =	ssettag $0x1  }
0x1: {  	s0 =	srdreg.scid  }
0x2: {  	s9 =	rddreg [dreg:$0x0];
	s7 =	simm.s32 $0x80;
	s6 =	sand.u32 $0x1, s0  }
0x3: {  	s8 =	simm.s32 $0x1;
	s0 =	stileid.u32;
	s1 =	sshll.u32 s6, $0x4  }
0x4: {  	s5 =	sadd.s32 $0x3200, s9;
	s2 =	sshll.u32 s0, $0x4;
	s10 =	sor.u32 s0, s1  }
0x5: {  	s1 =	rddreg [dreg:$0x1];
	s3 =	sand.u32 $0x70, s2;
	s4 =	sshll.u32 s10, $0x4  }
0x6: {  	s2 =	simm.s32 $0x0;
	s3 =	sadd.s32 s3, s9;
	s4 =	sand.u32 $0x180, s4  }
0x7: {  	s11 =	ssub.s32 $0x2, s6;
	[smem:$0x7FF] =	sst s2;
	s3 =	sadd.s32 s4, s3  }
0x8: {  	_ =	strace $0x80000050;
	s4 =	sadd.s32 $0x37800, s3;
	s3 =	simm.s32 $0x2  }
0x9: {  	[tilespmem:s2], [sflag:$0x2] =	stream.linear.gather [hbm4b:s4+s2], $0x80, $0x38;
	[tilespmem:$0x2080] =	vst v63  }
0xa: {  	s6 =	simm.s32 $0x40;
	s12 =	sshrl.u32 s11, $0x1;
	_ =	swait.ge [sflag:s3], $0x80  }
0xb: {  	s10 =	sshll.u32 s10, $0xA;
	s31 =	ssub.s32 s11, s12;
	[sflag:s3] =	ssyncset.done $0x0  }
0xc: {  	s9 =	sadd.s32 s10, s9;
	s10 =	smax.u32 s31, $0x1;
	[sflag:s3] =	ssyncadd.s32 $0xFFFFFF80  }
0xd: {  	[tilespmem:s7], [sflag:$0x1] =	stream.indirect.gather [hbm4b:s5+s6], $0x80, s2, s6, $0xb8;
	[tilespmem:$0x2080] =	vst v63  }
0xe: {  	p0 =	sne.s32 s10, $0x1;
	_ =	swait.ge [sflag:s8], $0x2000  }
.Ltmp0:
0xf: {  	[sflag:s8] =	ssyncset.done $0x0;
	(pc) =	sbr.rel @!p0 .LBB2_2-.Ltmp0, $4  }
0x10: {  	s9 =	sadd.s32 $0x2B200, s9;
	[sflag:s8] =	ssyncadd.s32 $0xFFFFE000  }
0x11: {  	[hbm4b:s9+s2] =	stream.linear.scatter [tilespmem:s7], [sflag:$0x2], $0x2000, $0x38;
	[tilespmem:$0x2080] =	vst v63  }
0x12: {  	_ =	swait.ge [sflag:s3], $0x2000  }
0x13: {  	s10 =	sadd.s32 $0xFFFFFFFF, s10;
	[sflag:s3] =	ssyncset.done $0x0  }
.LBB2_1:
0x14: {  	p0 =	sne.s32 s10, $0x1;
	s10 =	sadd.s32 $0xFFFFFFFF, s10;
	[sflag:s3] =	ssyncadd.s32 $0xFFFFE000  }
0x15: {  	[tilespmem:s2], [sflag:$0x2] =	stream.linear.gather [hbm4b:s4+s2], $0x80, $0x38;
	[tilespmem:$0x2080] =	vst v63  }
0x16: {  	_ =	swait.ge [sflag:s3], $0x80  }
0x17: {  	[sflag:s3] =	ssyncset.done $0x0  }
0x18: {  	[sflag:s3] =	ssyncadd.s32 $0xFFFFFF80  }
0x19: {  	[tilespmem:s7], [sflag:$0x1] =	stream.indirect.gather [hbm4b:s5+s6], $0x80, s2, s6, $0xb8;
	[tilespmem:$0x2080] =	vst v63  }
0x1a: {  	_ =	swait.ge [sflag:s8], $0x2000  }
.Ltmp1:
0x1b: {  	[sflag:s8] =	ssyncset.done $0x0;
	(pc) =	sbr.rel @p0 .LBB2_1-.Ltmp1, $4  }
0x1c: {  	[sflag:s8] =	ssyncadd.s32 $0xFFFFE000  }
0x1d: {  	[hbm4b:s9+s2] =	stream.linear.scatter [tilespmem:s7], [sflag:$0x2], $0x2000, $0x38;
	[tilespmem:$0x2080] =	vst v63  }
0x1e: {  	_ =	swait.ge [sflag:s3], $0x2000  }
0x1f: {  	[sflag:s3] =	ssyncset.done $0x0  }
.LBB2_2:
0x20: {  	[sflag:s3] =	ssyncadd.s32 $0xFFFFE000  }
0x21: {  	_ =	sfence.sel $0x180000  }
0x22: {  	[bflag:$0x0] =	sbarrier.arrive $0xFFFF  }
0x23: {  	p0 =	sne.s32 s0, $0x0;
	_ =	strace $0x90000050  }
0x24: {  	s0 =	sadd.s32 @!p0 $0x100000, s1;
	[bflag:$0x2] =	sbarrier.arrive $0xFFFF  }
0x25: {  	[sflag:s0] =	ssyncadd.tile.s32 @!p0 $0x1;
	_ =	shalt  }
.Lfunc_end2:
_tile_overlayer_lowered:
.L_overlay_start_2:
0x26: {  	(tag) =	ssettag $0x2  }
0x27: {  	s0 =	rddreg [dreg:$0x0];
	s2 =	stileid.u32  }
0x28: {  	s1 =	rddreg [dreg:$0x1];
	p0 =	sne.s32 s2, $0x0  }
0x29: {  	s3 =	rddreg [dreg:$0x2];
	[bflag:$0x3] =	sbarrier.arrive $0xFFFF;
	s2 =	simm.s32 @!p0 $0x1C02  }
0x2a: {  	[timem:s3], [sflag:s2] =	dma.local @!p0 [hbm:s0], s1  }
0x2b: {  	s0 =	simm.s32 @!p0 $0x2  }
0x2c: {  	_ =	swait.ge @!p0 [sflag:s0], s1  }
0x2d: {  	s1 =	ssub.s32 @!p0 $0x0, s1;
	[sflag:s0] =	ssyncset.done @!p0 $0x0  }
0x2e: {  	[sflag:s0] =	ssyncadd.s32 @!p0 s1  }
0x2f: {  	[bflag:$0x3] =	sbarrier.arrive $0xFFFF  }
0x30: {  	_ =	shalt  }

</sc_bundles>
